<compile_context>
chip_gen: v7x
topology: tpu7x:2x2x1
jax: 0.10.2.dev20260603
libtpu: 0.0.44.dev20260713+nightly
codegen_flags: <defaults>
</compile_context>

<pallas_src>
import functools

import jax
import jax.numpy as jnp
from jax import lax
from jax.experimental import pallas as pl
from jax.experimental.pallas import tpu as pltpu
from jax.experimental.pallas import tpu_sc as plsc

_E = 64
_D = 768
_N = 32768
_T = 4096

_NW = 32
_C = _N // _NW
_L = 16


def _router_body(x_ref, wg_ref, logits_ref, meta_ref):
    x = x_ref[...]
    wg = wg_ref[...]
    logits = jax.lax.dot_general(
        wg, x, (((1,), (1,)), ((), ())), preferred_element_type=jnp.float32)
    logits_ref[...] = logits

    m = jnp.max(logits, axis=0, keepdims=True)
    e = jnp.exp(logits - m)
    p = e / jnp.sum(e, axis=0, keepdims=True)

    eiota = jax.lax.broadcasted_iota(jnp.int32, p.shape, 0).astype(jnp.float32)
    w1 = jnp.max(p, axis=0, keepdims=True)
    idx1 = jnp.min(jnp.where(p == w1, eiota, float(_E)), axis=0, keepdims=True)
    p2 = jnp.where(eiota == idx1, -1.0, p)
    w2 = jnp.max(p2, axis=0, keepdims=True)
    idx2 = jnp.min(jnp.where(p2 == w2, eiota, float(_E)), axis=0, keepdims=True)

    w1m = jnp.where(idx1 == float(_E - 1), 0.0, w1)
    w2m = jnp.where(idx2 == float(_E - 1), 0.0, w2)
    s = w1m + w2m
    w1n = w1m / s
    w2n = w2m / s

    meta_ref[...] = jnp.concatenate([idx1, idx2, w1n, w2n], axis=0)


def _tc_router(x, wg):
    n_blocks = _N // _T
    return pl.pallas_call(
        _router_body,
        grid=(n_blocks,),
        in_specs=[
            pl.BlockSpec((_T, _D), lambda i: (i, 0)),
            pl.BlockSpec((_E, _D), lambda i: (0, 0)),
        ],
        out_specs=[
            pl.BlockSpec((_E, _T), lambda i: (0, i)),
            pl.BlockSpec((4, _T), lambda i: (0, i)),
        ],
        out_shape=[
            jax.ShapeDtypeStruct((_E, _N), jnp.float32),
            jax.ShapeDtypeStruct((4, _N), jnp.float32),
        ],
    )(x, wg)


def _sc_scatter_body(meta_hbm, ew_hbm, meta_v, ew_v, sem):
    wid = lax.axis_index("s") * 2 + lax.axis_index("c")
    base = wid * _C
    meta_dma = [
        pltpu.async_copy(meta_hbm.at[k, pl.ds(base, _C)],
                         meta_v.at[pl.ds(k * _C, _C)], sem)
        for k in range(4)
    ]

    z16 = jnp.zeros((_L,), jnp.float32)
    _ZU = 64

    def _zero(i, _):
        r = i // (_C // (_L * _ZU))
        b = (i % (_C // (_L * _ZU))) * (_L * _ZU)
        for k in range(_ZU):
            ew_v[r, pl.ds(b + k * _L, _L)] = z16
        return 0
    lax.fori_loop(0, _E * _C // (_L * _ZU), _zero, 0)

    for c in meta_dma:
        c.wait()

    lane = lax.iota(jnp.int32, _L)
    _SU = 8

    def _scatter(g, _):
        for k in range(_SU):
            o = (g * _SU + k) * _L
            t16 = o + lane
            e1 = meta_v[pl.ds(0 * _C + o, _L)].astype(jnp.int32)
            e2 = meta_v[pl.ds(1 * _C + o, _L)].astype(jnp.int32)
            w1 = meta_v[pl.ds(2 * _C + o, _L)]
            w2 = meta_v[pl.ds(3 * _C + o, _L)]
            plsc.store_scatter(ew_v, [e1, t16], w1)
            plsc.store_scatter(ew_v, [e2, t16], w2)
        return 0
    lax.fori_loop(0, _C // (_L * _SU), _scatter, 0)

    pltpu.async_copy(ew_v, ew_hbm.at[:, pl.ds(base, _C)], sem).wait()


_sc_scatter = functools.partial(
    pl.kernel,
    out_type=jax.ShapeDtypeStruct((_E, _N), jnp.float32),
    mesh=plsc.VectorSubcoreMesh(core_axis_name="c", subcore_axis_name="s"),
    compiler_params=pltpu.CompilerParams(needs_layout_passes=False),
    scratch_types=[
        pltpu.VMEM((4 * _C,), jnp.float32),
        pltpu.VMEM((_E, _C), jnp.float32),
        pltpu.SemaphoreType.DMA,
    ],
)(_sc_scatter_body)


@jax.jit
def kernel(inputs, W_gate, W_pre):
    del W_pre
    x = inputs.astype(jnp.float32)
    logits_t, meta = _tc_router(x, W_gate)
    ew = _sc_scatter(meta)
    sel_idx = meta[0:2, :].T.astype(jnp.int32)
    sel_w = meta[2:4, :].T
    return (sel_idx, sel_w, ew, logits_t.T)

# --- scband reference (transcript-rebuilt; emitter-appended) ---
"""Pipeline reference for scband-router-69604239999272 (READ-ONLY COPY).

The authoritative reference and input builder live on the scoring server;
editing this copy changes nothing except your own understanding.
"""

import jax, jax.numpy as jnp
import numpy as np

MOE_TOP_K = 2
NUM_EXPERTS = 64
MODEL_DIM = 768
N_TOKENS = 32768


def setup_inputs(seed: int = 0) -> dict:
    key = jax.random.key(seed)
    k1, k2, k3 = jax.random.split(key, 3)
    inputs = jax.random.normal(k1, (N_TOKENS, MODEL_DIM), dtype=jnp.float32)
    # gate_layer: Linear(model_dim -> num_experts, bias=False); torch weight shape [E, D]
    W_gate = jax.random.normal(k2, (NUM_EXPERTS, MODEL_DIM), dtype=jnp.float32) * (1.0 / np.sqrt(MODEL_DIM))
    # pre_gate: Linear(num_experts -> num_experts, bias=False); unused when pre_router_residual is None
    W_pre = jax.random.normal(k3, (NUM_EXPERTS, NUM_EXPERTS), dtype=jnp.float32) * (1.0 / np.sqrt(NUM_EXPERTS))
    return {"inputs": inputs, "W_gate": W_gate, "W_pre": W_pre}


def reference(inputs, W_gate, W_pre):
    x = inputs.astype(jnp.float32)
    router_logits = x @ W_gate.T
    # pre_router_residual is None -> pre_gate branch skipped (W_pre unused)
    router_weights = jax.nn.softmax(router_logits, axis=1)
    sel_w, sel_idx = jax.lax.top_k(router_weights, MOE_TOP_K)
    sel_w = jnp.where(sel_idx == NUM_EXPERTS - 1, jnp.zeros_like(sel_w), sel_w)
    sel_w = sel_w / jnp.sum(sel_w, axis=-1, keepdims=True)
    # expert_info dict equivalent (torch.where per expert yields ragged lists):
    # dense [E, N] matrix where entry (e, t) = routing weight of token t for expert e
    # (0 if token t was not routed to expert e). Same information, jit-friendly.
    expert_mask = sel_idx[None, :, :] == jnp.arange(NUM_EXPERTS)[:, None, None]  # [E, N, K]
    expert_weights = jnp.sum(jnp.where(expert_mask, sel_w[None, :, :], 0.0), axis=-1)  # [E, N]
    return (sel_idx, sel_w, expert_weights, router_logits)

if __name__ == "__main__":
    import jax
    _d = setup_inputs()
    print(jax.jit(kernel)(*tuple(_d.values())))

</pallas_src>

<mosaic_0001>
#map = affine_map<(d0, d1) -> (0, 0)>
module attributes {stable_mosaic.version = 14 : i64} {
  func.func @_sc_scatter_body(%arg0: i32, %arg1: i32, %arg2: memref<4x32768xf32, #tpu.memory_space<hbm>>, %arg3: memref<64x32768xf32, #tpu.memory_space<hbm>>, %arg4: memref<4096xf32, #tpu.memory_space<vmem>>, %arg5: memref<64x1024xf32, #tpu.memory_space<vmem>>, %arg6: memref<!tpu.dma_semaphore, #tpu.memory_space<semaphore_mem>>) attributes {dimension_semantics = [#tpu.dimension_semantics<core_parallel>, #tpu.dimension_semantics<subcore_parallel>], iteration_bounds = array<i64: 2, 16>, scalar_prefetch = 0 : i64, scratch_operands = 3 : i64, tpu.core_type = #tpu.core_type<sc_vector_subcore>, window_params = [{transform_indices = #map}, {transform_indices = #map}]} {
    %mul3A = arith.constant 2 : i32
    %mul3A_0 = arith.muli %arg1, %mul3A : i32
    %add3A = arith.addi %mul3A_0, %arg0 : i32
    %mul3A_1 = arith.constant 1024 : i32
    %mul3A_2 = arith.muli %add3A, %mul3A_1 : i32
    %dma_start3A = arith.constant 0 : i32
    %dma_start3A_3 = arith.constant 0 : i32
    %dma_start3A_4 = tpu.memref_slice %arg4[%dma_start3A_3] : memref<4096xf32, #tpu.memory_space<vmem>> -> memref<1024xf32, #tpu.memory_space<vmem>>
    %dma_start3A_5 = tpu.memref_slice %arg2[%dma_start3A, %mul3A_2] : memref<4x32768xf32, #tpu.memory_space<hbm>> -> memref<1x1024xf32, #tpu.memory_space<hbm>>
    %dma_start3A_6 = tpu.memref_squeeze %dma_start3A_5 : memref<1x1024xf32, #tpu.memory_space<hbm>> -> memref<1024xf32, #tpu.memory_space<hbm>>
    %dma_start3A_7 = arith.constant 0 : i32
    %dma_start3A_8 = tpu.memref_slice %arg4[%dma_start3A_7] : memref<4096xf32, #tpu.memory_space<vmem>> -> memref<1024xf32, #tpu.memory_space<vmem>>
    %dma_start3A_9 = tpu.memref_slice %arg2[%dma_start3A, %mul3A_2] : memref<4x32768xf32, #tpu.memory_space<hbm>> -> memref<1x1024xf32, #tpu.memory_space<hbm>>
    %dma_start3A_10 = tpu.memref_squeeze %dma_start3A_9 : memref<1x1024xf32, #tpu.memory_space<hbm>> -> memref<1024xf32, #tpu.memory_space<hbm>>
    tpu.enqueue_dma source(%dma_start3A_10 : memref<1024xf32, #tpu.memory_space<hbm>>) target(%dma_start3A_8 : memref<1024xf32, #tpu.memory_space<vmem>>) target_semaphore(%arg6 : memref<!tpu.dma_semaphore, #tpu.memory_space<semaphore_mem>>)
    %dma_start3A_11 = arith.constant 1 : i32
    %dma_start3A_12 = arith.constant 1024 : i32
    %dma_start3A_13 = tpu.memref_slice %arg4[%dma_start3A_12] : memref<4096xf32, #tpu.memory_space<vmem>> -> memref<1024xf32, #tpu.memory_space<vmem>>
    %dma_start3A_14 = tpu.memref_slice %arg2[%dma_start3A_11, %mul3A_2] : memref<4x32768xf32, #tpu.memory_space<hbm>> -> memref<1x1024xf32, #tpu.memory_space<hbm>>
    %dma_start3A_15 = tpu.memref_squeeze %dma_start3A_14 : memref<1x1024xf32, #tpu.memory_space<hbm>> -> memref<1024xf32, #tpu.memory_space<hbm>>
    %dma_start3A_16 = arith.constant 1024 : i32
    %dma_start3A_17 = tpu.memref_slice %arg4[%dma_start3A_16] : memref<4096xf32, #tpu.memory_space<vmem>> -> memref<1024xf32, #tpu.memory_space<vmem>>
    %dma_start3A_18 = tpu.memref_slice %arg2[%dma_start3A_11, %mul3A_2] : memref<4x32768xf32, #tpu.memory_space<hbm>> -> memref<1x1024xf32, #tpu.memory_space<hbm>>
    %dma_start3A_19 = tpu.memref_squeeze %dma_start3A_18 : memref<1x1024xf32, #tpu.memory_space<hbm>> -> memref<1024xf32, #tpu.memory_space<hbm>>
    tpu.enqueue_dma source(%dma_start3A_19 : memref<1024xf32, #tpu.memory_space<hbm>>) target(%dma_start3A_17 : memref<1024xf32, #tpu.memory_space<vmem>>) target_semaphore(%arg6 : memref<!tpu.dma_semaphore, #tpu.memory_space<semaphore_mem>>)
    %dma_start3A_20 = arith.constant 2 : i32
    %dma_start3A_21 = arith.constant 2048 : i32
    %dma_start3A_22 = tpu.memref_slice %arg4[%dma_start3A_21] : memref<4096xf32, #tpu.memory_space<vmem>> -> memref<1024xf32, #tpu.memory_space<vmem>>
    %dma_start3A_23 = tpu.memref_slice %arg2[%dma_start3A_20, %mul3A_2] : memref<4x32768xf32, #tpu.memory_space<hbm>> -> memref<1x1024xf32, #tpu.memory_space<hbm>>
    %dma_start3A_24 = tpu.memref_squeeze %dma_start3A_23 : memref<1x1024xf32, #tpu.memory_space<hbm>> -> memref<1024xf32, #tpu.memory_space<hbm>>
    %dma_start3A_25 = arith.constant 2048 : i32
    %dma_start3A_26 = tpu.memref_slice %arg4[%dma_start3A_25] : memref<4096xf32, #tpu.memory_space<vmem>> -> memref<1024xf32, #tpu.memory_space<vmem>>
    %dma_start3A_27 = tpu.memref_slice %arg2[%dma_start3A_20, %mul3A_2] : memref<4x32768xf32, #tpu.memory_space<hbm>> -> memref<1x1024xf32, #tpu.memory_space<hbm>>
    %dma_start3A_28 = tpu.memref_squeeze %dma_start3A_27 : memref<1x1024xf32, #tpu.memory_space<hbm>> -> memref<1024xf32, #tpu.memory_space<hbm>>
    tpu.enqueue_dma source(%dma_start3A_28 : memref<1024xf32, #tpu.memory_space<hbm>>) target(%dma_start3A_26 : memref<1024xf32, #tpu.memory_space<vmem>>) target_semaphore(%arg6 : memref<!tpu.dma_semaphore, #tpu.memory_space<semaphore_mem>>)
    %dma_start3A_29 = arith.constant 3 : i32
    %dma_start3A_30 = arith.constant 3072 : i32
    %dma_start3A_31 = tpu.memref_slice %arg4[%dma_start3A_30] : memref<4096xf32, #tpu.memory_space<vmem>> -> memref<1024xf32, #tpu.memory_space<vmem>>
    %dma_start3A_32 = tpu.memref_slice %arg2[%dma_start3A_29, %mul3A_2] : memref<4x32768xf32, #tpu.memory_space<hbm>> -> memref<1x1024xf32, #tpu.memory_space<hbm>>
    %dma_start3A_33 = tpu.memref_squeeze %dma_start3A_32 : memref<1x1024xf32, #tpu.memory_space<hbm>> -> memref<1024xf32, #tpu.memory_space<hbm>>
    %dma_start3A_34 = arith.constant 3072 : i32
    %dma_start3A_35 = tpu.memref_slice %arg4[%dma_start3A_34] : memref<4096xf32, #tpu.memory_space<vmem>> -> memref<1024xf32, #tpu.memory_space<vmem>>
    %dma_start3A_36 = tpu.memref_slice %arg2[%dma_start3A_29, %mul3A_2] : memref<4x32768xf32, #tpu.memory_space<hbm>> -> memref<1x1024xf32, #tpu.memory_space<hbm>>
    %dma_start3A_37 = tpu.memref_squeeze %dma_start3A_36 : memref<1x1024xf32, #tpu.memory_space<hbm>> -> memref<1024xf32, #tpu.memory_space<hbm>>
    tpu.enqueue_dma source(%dma_start3A_37 : memref<1024xf32, #tpu.memory_space<hbm>>) target(%dma_start3A_35 : memref<1024xf32, #tpu.memory_space<vmem>>) target_semaphore(%arg6 : memref<!tpu.dma_semaphore, #tpu.memory_space<semaphore_mem>>)
    %broadcast_in_dim3A = arith.constant 0.000000e+00 : f32
    %broadcast_in_dim3A_38 = vector.broadcast %broadcast_in_dim3A : f32 to vector<16xf32>
    %scan3A = arith.constant 0 : i32
    %scan3A_39 = arith.constant 0 : i32
    %scan3A_40 = arith.constant 64 : i32
    %scan3A_41 = arith.addi %scan3A_39, %scan3A_40 : i32
    %scan3A_42 = arith.constant 1 : i32
    %scan3A_43 = scf.for %scan3A_95 = %scan3A_39 to %scan3A_41 step %scan3A_42 iter_args(%scan3A_96 = %scan3A) -> (i32)  : i32 {
      %jit3A = arith.constant 1 : i32
      %div3A = arith.divsi %scan3A_95, %jit3A : i32
      %sign3A = arith.constant 0 : i32
      %sign3A_97 = arith.cmpi sgt, %scan3A_95, %sign3A : i32
      %sign3A_98 = arith.extui %sign3A_97 : i1 to i32
      %sign3A_99 = arith.constant 0 : i32
      %sign3A_100 = arith.cmpi slt, %scan3A_95, %sign3A_99 : i32
      %sign3A_101 = arith.extui %sign3A_100 : i1 to i32
      %sign3A_102 = arith.subi %sign3A_98, %sign3A_101 : i32
      %sign3A_103 = arith.constant 0 : i32
      %sign3A_104 = arith.cmpi sgt, %jit3A, %sign3A_103 : i32
      %sign3A_105 = arith.extui %sign3A_104 : i1 to i32
      %sign3A_106 = arith.constant 0 : i32
      %sign3A_107 = arith.cmpi slt, %jit3A, %sign3A_106 : i32
      %sign3A_108 = arith.extui %sign3A_107 : i1 to i32
      %sign3A_109 = arith.subi %sign3A_105, %sign3A_108 : i32
      %ne3A = arith.cmpi ne, %sign3A_102, %sign3A_109 : i32
      %rem3A = arith.remsi %scan3A_95, %jit3A : i32
      %ne3A_110 = arith.constant 0 : i32
      %ne3A_111 = arith.cmpi ne, %rem3A, %ne3A_110 : i32
      %and3A = arith.andi %ne3A, %ne3A_111 : i1
      %sub3A = arith.constant 1 : i32
      %sub3A_112 = arith.subi %div3A, %sub3A : i32
      %select_n3A = arith.select %and3A, %sub3A_112, %div3A : i32
      %jit3A_113 = arith.constant 1 : i32
      %eq3A = arith.constant 0 : i32
      %eq3A_114 = arith.cmpi eq, %jit3A_113, %eq3A : i32
      %jit3A_115 = arith.constant 1 : i32
      %select_n3A_116 = arith.select %eq3A_114, %jit3A_115, %jit3A_113 : i32
      %rem3A_117 = arith.remsi %scan3A_95, %select_n3A_116 : i32
      %ne3A_118 = arith.constant 0 : i32
      %ne3A_119 = arith.cmpi ne, %rem3A_117, %ne3A_118 : i32
      %lt3A = arith.constant 0 : i32
      %lt3A_120 = arith.cmpi slt, %rem3A_117, %lt3A : i32
      %lt3A_121 = arith.constant 0 : i32
      %lt3A_122 = arith.cmpi slt, %select_n3A_116, %lt3A_121 : i32
      %ne3A_123 = arith.xori %lt3A_120, %lt3A_122 : i1
      %and3A_124 = arith.andi %ne3A_123, %ne3A_119 : i1
      %add3A_125 = arith.addi %rem3A_117, %select_n3A_116 : i32
      %select_n3A_126 = arith.select %and3A_124, %add3A_125, %rem3A_117 : i32
      %mul3A_127 = arith.constant 1024 : i32
      %mul3A_128 = arith.muli %select_n3A_126, %mul3A_127 : i32
      %add3A_129 = arith.constant 0 : i32
      %add3A_130 = arith.addi %mul3A_128, %add3A_129 : i32
      %swap3A = arith.index_cast %select_n3A : i32 to index
      %swap3A_131 = arith.index_cast %add3A_130 : i32 to index
      %swap3A_132 = tpu.vector_load %arg5[%swap3A, %swap3A_131] {strides = array<i32>} : memref<64x1024xf32, #tpu.memory_space<vmem>>, vector<16xf32>,
      tpu.vector_store %arg5[%swap3A, %swap3A_131], %broadcast_in_dim3A_38 {strides = array<i32>} : memref<64x1024xf32, #tpu.memory_space<vmem>>, vector<16xf32>,
      %add3A_133 = arith.constant 16 : i32
      %add3A_134 = arith.addi %mul3A_128, %add3A_133 : i32
      %swap3A_135 = arith.index_cast %select_n3A : i32 to index
      %swap3A_136 = arith.index_cast %add3A_134 : i32 to index
      %swap3A_137 = tpu.vector_load %arg5[%swap3A_135, %swap3A_136] {strides = array<i32>} : memref<64x1024xf32, #tpu.memory_space<vmem>>, vector<16xf32>,
      tpu.vector_store %arg5[%swap3A_135, %swap3A_136], %broadcast_in_dim3A_38 {strides = array<i32>} : memref<64x1024xf32, #tpu.memory_space<vmem>>, vector<16xf32>,
      %add3A_138 = arith.constant 32 : i32
      %add3A_139 = arith.addi %mul3A_128, %add3A_138 : i32
      %swap3A_140 = arith.index_cast %select_n3A : i32 to index
      %swap3A_141 = arith.index_cast %add3A_139 : i32 to index
      %swap3A_142 = tpu.vector_load %arg5[%swap3A_140, %swap3A_141] {strides = array<i32>} : memref<64x1024xf32, #tpu.memory_space<vmem>>, vector<16xf32>,
      tpu.vector_store %arg5[%swap3A_140, %swap3A_141], %broadcast_in_dim3A_38 {strides = array<i32>} : memref<64x1024xf32, #tpu.memory_space<vmem>>, vector<16xf32>,
      %add3A_143 = arith.constant 48 : i32
      %add3A_144 = arith.addi %mul3A_128, %add3A_143 : i32
      %swap3A_145 = arith.index_cast %select_n3A : i32 to index
      %swap3A_146 = arith.index_cast %add3A_144 : i32 to index
      %swap3A_147 = tpu.vector_load %arg5[%swap3A_145, %swap3A_146] {strides = array<i32>} : memref<64x1024xf32, #tpu.memory_space<vmem>>, vector<16xf32>,
      tpu.vector_store %arg5[%swap3A_145, %swap3A_146], %broadcast_in_dim3A_38 {strides = array<i32>} : memref<64x1024xf32, #tpu.memory_space<vmem>>, vector<16xf32>,
      %add3A_148 = arith.constant 64 : i32
      %add3A_149 = arith.addi %mul3A_128, %add3A_148 : i32
      %swap3A_150 = arith.index_cast %select_n3A : i32 to index
      %swap3A_151 = arith.index_cast %add3A_149 : i32 to index
      %swap3A_152 = tpu.vector_load %arg5[%swap3A_150, %swap3A_151] {strides = array<i32>} : memref<64x1024xf32, #tpu.memory_space<vmem>>, vector<16xf32>,
      tpu.vector_store %arg5[%swap3A_150, %swap3A_151], %broadcast_in_dim3A_38 {strides = array<i32>} : memref<64x1024xf32, #tpu.memory_space<vmem>>, vector<16xf32>,
      %add3A_153 = arith.constant 80 : i32
      %add3A_154 = arith.addi %mul3A_128, %add3A_153 : i32
      %swap3A_155 = arith.index_cast %select_n3A : i32 to index
      %swap3A_156 = arith.index_cast %add3A_154 : i32 to index
      %swap3A_157 = tpu.vector_load %arg5[%swap3A_155, %swap3A_156] {strides = array<i32>} : memref<64x1024xf32, #tpu.memory_space<vmem>>, vector<16xf32>,
      tpu.vector_store %arg5[%swap3A_155, %swap3A_156], %broadcast_in_dim3A_38 {strides = array<i32>} : memref<64x1024xf32, #tpu.memory_space<vmem>>, vector<16xf32>,
      %add3A_158 = arith.constant 96 : i32
      %add3A_159 = arith.addi %mul3A_128, %add3A_158 : i32
      %swap3A_160 = arith.index_cast %select_n3A : i32 to index
      %swap3A_161 = arith.index_cast %add3A_159 : i32 to index
      %swap3A_162 = tpu.vector_load %arg5[%swap3A_160, %swap3A_161] {strides = array<i32>} : memref<64x1024xf32, #tpu.memory_space<vmem>>, vector<16xf32>,
      tpu.vector_store %arg5[%swap3A_160, %swap3A_161], %broadcast_in_dim3A_38 {strides = array<i32>} : memref<64x1024xf32, #tpu.memory_space<vmem>>, vector<16xf32>,
      %add3A_163 = arith.constant 112 : i32
      %add3A_164 = arith.addi %mul3A_128, %add3A_163 : i32
      %swap3A_165 = arith.index_cast %select_n3A : i32 to index
      %swap3A_166 = arith.index_cast %add3A_164 : i32 to index
      %swap3A_167 = tpu.vector_load %arg5[%swap3A_165, %swap3A_166] {strides = array<i32>} : memref<64x1024xf32, #tpu.memory_space<vmem>>, vector<16xf32>,
      tpu.vector_store %arg5[%swap3A_165, %swap3A_166], %broadcast_in_dim3A_38 {strides = array<i32>} : memref<64x1024xf32, #tpu.memory_space<vmem>>, vector<16xf32>,
      %add3A_168 = arith.constant 128 : i32
      %add3A_169 = arith.addi %mul3A_128, %add3A_168 : i32
      %swap3A_170 = arith.index_cast %select_n3A : i32 to index
      %swap3A_171 = arith.index_cast %add3A_169 : i32 to index
      %swap3A_172 = tpu.vector_load %arg5[%swap3A_170, %swap3A_171] {strides = array<i32>} : memref<64x1024xf32, #tpu.memory_space<vmem>>, vector<16xf32>,
      tpu.vector_store %arg5[%swap3A_170, %swap3A_171], %broadcast_in_dim3A_38 {strides = array<i32>} : memref<64x1024xf32, #tpu.memory_space<vmem>>, vector<16xf32>,
      %add3A_173 = arith.constant 144 : i32
      %add3A_174 = arith.addi %mul3A_128, %add3A_173 : i32
      %swap3A_175 = arith.index_cast %select_n3A : i32 to index
      %swap3A_176 = arith.index_cast %add3A_174 : i32 to index
      %swap3A_177 = tpu.vector_load %arg5[%swap3A_175, %swap3A_176] {strides = array<i32>} : memref<64x1024xf32, #tpu.memory_space<vmem>>, vector<16xf32>,
      tpu.vector_store %arg5[%swap3A_175, %swap3A_176], %broadcast_in_dim3A_38 {strides = array<i32>} : memref<64x1024xf32, #tpu.memory_space<vmem>>, vector<16xf32>,
      %add3A_178 = arith.constant 160 : i32
      %add3A_179 = arith.addi %mul3A_128, %add3A_178 : i32
      %swap3A_180 = arith.index_cast %select_n3A : i32 to index
      %swap3A_181 = arith.index_cast %add3A_179 : i32 to index
      %swap3A_182 = tpu.vector_load %arg5[%swap3A_180, %swap3A_181] {strides = array<i32>} : memref<64x1024xf32, #tpu.memory_space<vmem>>, vector<16xf32>,
      tpu.vector_store %arg5[%swap3A_180, %swap3A_181], %broadcast_in_dim3A_38 {strides = array<i32>} : memref<64x1024xf32, #tpu.memory_space<vmem>>, vector<16xf32>,
      %add3A_183 = arith.constant 176 : i32
      %add3A_184 = arith.addi %mul3A_128, %add3A_183 : i32
      %swap3A_185 = arith.index_cast %select_n3A : i32 to index
      %swap3A_186 = arith.index_cast %add3A_184 : i32 to index
      %swap3A_187 = tpu.vector_load %arg5[%swap3A_185, %swap3A_186] {strides = array<i32>} : memref<64x1024xf32, #tpu.memory_space<vmem>>, vector<16xf32>,
      tpu.vector_store %arg5[%swap3A_185, %swap3A_186], %broadcast_in_dim3A_38 {strides = array<i32>} : memref<64x1024xf32, #tpu.memory_space<vmem>>, vector<16xf32>,
      %add3A_188 = arith.constant 192 : i32
      %add3A_189 = arith.addi %mul3A_128, %add3A_188 : i32
      %swap3A_190 = arith.index_cast %select_n3A : i32 to index
      %swap3A_191 = arith.index_cast %add3A_189 : i32 to index
      %swap3A_192 = tpu.vector_load %arg5[%swap3A_190, %swap3A_191] {strides = array<i32>} : memref<64x1024xf32, #tpu.memory_space<vmem>>, vector<16xf32>,
      tpu.vector_store %arg5[%swap3A_190, %swap3A_191], %broadcast_in_dim3A_38 {strides = array<i32>} : memref<64x1024xf32, #tpu.memory_space<vmem>>, vector<16xf32>,
      %add3A_193 = arith.constant 208 : i32
      %add3A_194 = arith.addi %mul3A_128, %add3A_193 : i32
      %swap3A_195 = arith.index_cast %select_n3A : i32 to index
      %swap3A_196 = arith.index_cast %add3A_194 : i32 to index
      %swap3A_197 = tpu.vector_load %arg5[%swap3A_195, %swap3A_196] {strides = array<i32>} : memref<64x1024xf32, #tpu.memory_space<vmem>>, vector<16xf32>,
      tpu.vector_store %arg5[%swap3A_195, %swap3A_196], %broadcast_in_dim3A_38 {strides = array<i32>} : memref<64x1024xf32, #tpu.memory_space<vmem>>, vector<16xf32>,
      %add3A_198 = arith.constant 224 : i32
      %add3A_199 = arith.addi %mul3A_128, %add3A_198 : i32
      %swap3A_200 = arith.index_cast %select_n3A : i32 to index
      %swap3A_201 = arith.index_cast %add3A_199 : i32 to index
      %swap3A_202 = tpu.vector_load %arg5[%swap3A_200, %swap3A_201] {strides = array<i32>} : memref<64x1024xf32, #tpu.memory_space<vmem>>, vector<16xf32>,
      tpu.vector_store %arg5[%swap3A_200, %swap3A_201], %broadcast_in_dim3A_38 {strides = array<i32>} : memref<64x1024xf32, #tpu.memory_space<vmem>>, vector<16xf32>,
      %add3A_203 = arith.constant 240 : i32
      %add3A_204 = arith.addi %mul3A_128, %add3A_203 : i32
      %swap3A_205 = arith.index_cast %select_n3A : i32 to index
      %swap3A_206 = arith.index_cast %add3A_204 : i32 to index
      %swap3A_207 = tpu.vector_load %arg5[%swap3A_205, %swap3A_206] {strides = array<i32>} : memref<64x1024xf32, #tpu.memory_space<vmem>>, vector<16xf32>,
      tpu.vector_store %arg5[%swap3A_205, %swap3A_206], %broadcast_in_dim3A_38 {strides = array<i32>} : memref<64x1024xf32, #tpu.memory_space<vmem>>, vector<16xf32>,
      %add3A_208 = arith.constant 256 : i32
      %add3A_209 = arith.addi %mul3A_128, %add3A_208 : i32
      %swap3A_210 = arith.index_cast %select_n3A : i32 to index
      %swap3A_211 = arith.index_cast %add3A_209 : i32 to index
      %swap3A_212 = tpu.vector_load %arg5[%swap3A_210, %swap3A_211] {strides = array<i32>} : memref<64x1024xf32, #tpu.memory_space<vmem>>, vector<16xf32>,
      tpu.vector_store %arg5[%swap3A_210, %swap3A_211], %broadcast_in_dim3A_38 {strides = array<i32>} : memref<64x1024xf32, #tpu.memory_space<vmem>>, vector<16xf32>,
      %add3A_213 = arith.constant 272 : i32
      %add3A_214 = arith.addi %mul3A_128, %add3A_213 : i32
      %swap3A_215 = arith.index_cast %select_n3A : i32 to index
      %swap3A_216 = arith.index_cast %add3A_214 : i32 to index
      %swap3A_217 = tpu.vector_load %arg5[%swap3A_215, %swap3A_216] {strides = array<i32>} : memref<64x1024xf32, #tpu.memory_space<vmem>>, vector<16xf32>,
      tpu.vector_store %arg5[%swap3A_215, %swap3A_216], %broadcast_in_dim3A_38 {strides = array<i32>} : memref<64x1024xf32, #tpu.memory_space<vmem>>, vector<16xf32>,
      %add3A_218 = arith.constant 288 : i32
      %add3A_219 = arith.addi %mul3A_128, %add3A_218 : i32
      %swap3A_220 = arith.index_cast %select_n3A : i32 to index
      %swap3A_221 = arith.index_cast %add3A_219 : i32 to index
      %swap3A_222 = tpu.vector_load %arg5[%swap3A_220, %swap3A_221] {strides = array<i32>} : memref<64x1024xf32, #tpu.memory_space<vmem>>, vector<16xf32>,
      tpu.vector_store %arg5[%swap3A_220, %swap3A_221], %broadcast_in_dim3A_38 {strides = array<i32>} : memref<64x1024xf32, #tpu.memory_space<vmem>>, vector<16xf32>,
      %add3A_223 = arith.constant 304 : i32
      %add3A_224 = arith.addi %mul3A_128, %add3A_223 : i32
      %swap3A_225 = arith.index_cast %select_n3A : i32 to index
      %swap3A_226 = arith.index_cast %add3A_224 : i32 to index
      %swap3A_227 = tpu.vector_load %arg5[%swap3A_225, %swap3A_226] {strides = array<i32>} : memref<64x1024xf32, #tpu.memory_space<vmem>>, vector<16xf32>,
      tpu.vector_store %arg5[%swap3A_225, %swap3A_226], %broadcast_in_dim3A_38 {strides = array<i32>} : memref<64x1024xf32, #tpu.memory_space<vmem>>, vector<16xf32>,
      %add3A_228 = arith.constant 320 : i32
      %add3A_229 = arith.addi %mul3A_128, %add3A_228 : i32
      %swap3A_230 = arith.index_cast %select_n3A : i32 to index
      %swap3A_231 = arith.index_cast %add3A_229 : i32 to index
      %swap3A_232 = tpu.vector_load %arg5[%swap3A_230, %swap3A_231] {strides = array<i32>} : memref<64x1024xf32, #tpu.memory_space<vmem>>, vector<16xf32>,
      tpu.vector_store %arg5[%swap3A_230, %swap3A_231], %broadcast_in_dim3A_38 {strides = array<i32>} : memref<64x1024xf32, #tpu.memory_space<vmem>>, vector<16xf32>,
      %add3A_233 = arith.constant 336 : i32
      %add3A_234 = arith.addi %mul3A_128, %add3A_233 : i32
      %swap3A_235 = arith.index_cast %select_n3A : i32 to index
      %swap3A_236 = arith.index_cast %add3A_234 : i32 to index
      %swap3A_237 = tpu.vector_load %arg5[%swap3A_235, %swap3A_236] {strides = array<i32>} : memref<64x1024xf32, #tpu.memory_space<vmem>>, vector<16xf32>,
      tpu.vector_store %arg5[%swap3A_235, %swap3A_236], %broadcast_in_dim3A_38 {strides = array<i32>} : memref<64x1024xf32, #tpu.memory_space<vmem>>, vector<16xf32>,
      %add3A_238 = arith.constant 352 : i32
      %add3A_239 = arith.addi %mul3A_128, %add3A_238 : i32
      %swap3A_240 = arith.index_cast %select_n3A : i32 to index
      %swap3A_241 = arith.index_cast %add3A_239 : i32 to index
      %swap3A_242 = tpu.vector_load %arg5[%swap3A_240, %swap3A_241] {strides = array<i32>} : memref<64x1024xf32, #tpu.memory_space<vmem>>, vector<16xf32>,
      tpu.vector_store %arg5[%swap3A_240, %swap3A_241], %broadcast_in_dim3A_38 {strides = array<i32>} : memref<64x1024xf32, #tpu.memory_space<vmem>>, vector<16xf32>,
      %add3A_243 = arith.constant 368 : i32
      %add3A_244 = arith.addi %mul3A_128, %add3A_243 : i32
      %swap3A_245 = arith.index_cast %select_n3A : i32 to index
      %swap3A_246 = arith.index_cast %add3A_244 : i32 to index
      %swap3A_247 = tpu.vector_load %arg5[%swap3A_245, %swap3A_246] {strides = array<i32>} : memref<64x1024xf32, #tpu.memory_space<vmem>>, vector<16xf32>,
      tpu.vector_store %arg5[%swap3A_245, %swap3A_246], %broadcast_in_dim3A_38 {strides = array<i32>} : memref<64x1024xf32, #tpu.memory_space<vmem>>, vector<16xf32>,
      %add3A_248 = arith.constant 384 : i32
      %add3A_249 = arith.addi %mul3A_128, %add3A_248 : i32
      %swap3A_250 = arith.index_cast %select_n3A : i32 to index
      %swap3A_251 = arith.index_cast %add3A_249 : i32 to index
      %swap3A_252 = tpu.vector_load %arg5[%swap3A_250, %swap3A_251] {strides = array<i32>} : memref<64x1024xf32, #tpu.memory_space<vmem>>, vector<16xf32>,
      tpu.vector_store %arg5[%swap3A_250, %swap3A_251], %broadcast_in_dim3A_38 {strides = array<i32>} : memref<64x1024xf32, #tpu.memory_space<vmem>>, vector<16xf32>,
      %add3A_253 = arith.constant 400 : i32
      %add3A_254 = arith.addi %mul3A_128, %add3A_253 : i32
      %swap3A_255 = arith.index_cast %select_n3A : i32 to index
      %swap3A_256 = arith.index_cast %add3A_254 : i32 to index
      %swap3A_257 = tpu.vector_load %arg5[%swap3A_255, %swap3A_256] {strides = array<i32>} : memref<64x1024xf32, #tpu.memory_space<vmem>>, vector<16xf32>,
      tpu.vector_store %arg5[%swap3A_255, %swap3A_256], %broadcast_in_dim3A_38 {strides = array<i32>} : memref<64x1024xf32, #tpu.memory_space<vmem>>, vector<16xf32>,
      %add3A_258 = arith.constant 416 : i32
      %add3A_259 = arith.addi %mul3A_128, %add3A_258 : i32
      %swap3A_260 = arith.index_cast %select_n3A : i32 to index
      %swap3A_261 = arith.index_cast %add3A_259 : i32 to index
      %swap3A_262 = tpu.vector_load %arg5[%swap3A_260, %swap3A_261] {strides = array<i32>} : memref<64x1024xf32, #tpu.memory_space<vmem>>, vector<16xf32>,
      tpu.vector_store %arg5[%swap3A_260, %swap3A_261], %broadcast_in_dim3A_38 {strides = array<i32>} : memref<64x1024xf32, #tpu.memory_space<vmem>>, vector<16xf32>,
      %add3A_263 = arith.constant 432 : i32
      %add3A_264 = arith.addi %mul3A_128, %add3A_263 : i32
      %swap3A_265 = arith.index_cast %select_n3A : i32 to index
      %swap3A_266 = arith.index_cast %add3A_264 : i32 to index
      %swap3A_267 = tpu.vector_load %arg5[%swap3A_265, %swap3A_266] {strides = array<i32>} : memref<64x1024xf32, #tpu.memory_space<vmem>>, vector<16xf32>,
      tpu.vector_store %arg5[%swap3A_265, %swap3A_266], %broadcast_in_dim3A_38 {strides = array<i32>} : memref<64x1024xf32, #tpu.memory_space<vmem>>, vector<16xf32>,
      %add3A_268 = arith.constant 448 : i32
      %add3A_269 = arith.addi %mul3A_128, %add3A_268 : i32
      %swap3A_270 = arith.index_cast %select_n3A : i32 to index
      %swap3A_271 = arith.index_cast %add3A_269 : i32 to index
      %swap3A_272 = tpu.vector_load %arg5[%swap3A_270, %swap3A_271] {strides = array<i32>} : memref<64x1024xf32, #tpu.memory_space<vmem>>, vector<16xf32>,
      tpu.vector_store %arg5[%swap3A_270, %swap3A_271], %broadcast_in_dim3A_38 {strides = array<i32>} : memref<64x1024xf32, #tpu.memory_space<vmem>>, vector<16xf32>,
      %add3A_273 = arith.constant 464 : i32
      %add3A_274 = arith.addi %mul3A_128, %add3A_273 : i32
      %swap3A_275 = arith.index_cast %select_n3A : i32 to index
      %swap3A_276 = arith.index_cast %add3A_274 : i32 to index
      %swap3A_277 = tpu.vector_load %arg5[%swap3A_275, %swap3A_276] {strides = array<i32>} : memref<64x1024xf32, #tpu.memory_space<vmem>>, vector<16xf32>,
      tpu.vector_store %arg5[%swap3A_275, %swap3A_276], %broadcast_in_dim3A_38 {strides = array<i32>} : memref<64x1024xf32, #tpu.memory_space<vmem>>, vector<16xf32>,
      %add3A_278 = arith.constant 480 : i32
      %add3A_279 = arith.addi %mul3A_128, %add3A_278 : i32
      %swap3A_280 = arith.index_cast %select_n3A : i32 to index
      %swap3A_281 = arith.index_cast %add3A_279 : i32 to index
      %swap3A_282 = tpu.vector_load %arg5[%swap3A_280, %swap3A_281] {strides = array<i32>} : memref<64x1024xf32, #tpu.memory_space<vmem>>, vector<16xf32>,
      tpu.vector_store %arg5[%swap3A_280, %swap3A_281], %broadcast_in_dim3A_38 {strides = array<i32>} : memref<64x1024xf32, #tpu.memory_space<vmem>>, vector<16xf32>,
      %add3A_283 = arith.constant 496 : i32
      %add3A_284 = arith.addi %mul3A_128, %add3A_283 : i32
      %swap3A_285 = arith.index_cast %select_n3A : i32 to index
      %swap3A_286 = arith.index_cast %add3A_284 : i32 to index
      %swap3A_287 = tpu.vector_load %arg5[%swap3A_285, %swap3A_286] {strides = array<i32>} : memref<64x1024xf32, #tpu.memory_space<vmem>>, vector<16xf32>,
      tpu.vector_store %arg5[%swap3A_285, %swap3A_286], %broadcast_in_dim3A_38 {strides = array<i32>} : memref<64x1024xf32, #tpu.memory_space<vmem>>, vector<16xf32>,
      %add3A_288 = arith.constant 512 : i32
      %add3A_289 = arith.addi %mul3A_128, %add3A_288 : i32
      %swap3A_290 = arith.index_cast %select_n3A : i32 to index
      %swap3A_291 = arith.index_cast %add3A_289 : i32 to index
      %swap3A_292 = tpu.vector_load %arg5[%swap3A_290, %swap3A_291] {strides = array<i32>} : memref<64x1024xf32, #tpu.memory_space<vmem>>, vector<16xf32>,
      tpu.vector_store %arg5[%swap3A_290, %swap3A_291], %broadcast_in_dim3A_38 {strides = array<i32>} : memref<64x1024xf32, #tpu.memory_space<vmem>>, vector<16xf32>,
      %add3A_293 = arith.constant 528 : i32
      %add3A_294 = arith.addi %mul3A_128, %add3A_293 : i32
      %swap3A_295 = arith.index_cast %select_n3A : i32 to index
      %swap3A_296 = arith.index_cast %add3A_294 : i32 to index
      %swap3A_297 = tpu.vector_load %arg5[%swap3A_295, %swap3A_296] {strides = array<i32>} : memref<64x1024xf32, #tpu.memory_space<vmem>>, vector<16xf32>,
      tpu.vector_store %arg5[%swap3A_295, %swap3A_296], %broadcast_in_dim3A_38 {strides = array<i32>} : memref<64x1024xf32, #tpu.memory_space<vmem>>, vector<16xf32>,
      %add3A_298 = arith.constant 544 : i32
      %add3A_299 = arith.addi %mul3A_128, %add3A_298 : i32
      %swap3A_300 = arith.index_cast %select_n3A : i32 to index
      %swap3A_301 = arith.index_cast %add3A_299 : i32 to index
      %swap3A_302 = tpu.vector_load %arg5[%swap3A_300, %swap3A_301] {strides = array<i32>} : memref<64x1024xf32, #tpu.memory_space<vmem>>, vector<16xf32>,
      tpu.vector_store %arg5[%swap3A_300, %swap3A_301], %broadcast_in_dim3A_38 {strides = array<i32>} : memref<64x1024xf32, #tpu.memory_space<vmem>>, vector<16xf32>,
      %add3A_303 = arith.constant 560 : i32
      %add3A_304 = arith.addi %mul3A_128, %add3A_303 : i32
      %swap3A_305 = arith.index_cast %select_n3A : i32 to index
      %swap3A_306 = arith.index_cast %add3A_304 : i32 to index
      %swap3A_307 = tpu.vector_load %arg5[%swap3A_305, %swap3A_306] {strides = array<i32>} : memref<64x1024xf32, #tpu.memory_space<vmem>>, vector<16xf32>,
      tpu.vector_store %arg5[%swap3A_305, %swap3A_306], %broadcast_in_dim3A_38 {strides = array<i32>} : memref<64x1024xf32, #tpu.memory_space<vmem>>, vector<16xf32>,
      %add3A_308 = arith.constant 576 : i32
      %add3A_309 = arith.addi %mul3A_128, %add3A_308 : i32
      %swap3A_310 = arith.index_cast %select_n3A : i32 to index
      %swap3A_311 = arith.index_cast %add3A_309 : i32 to index
      %swap3A_312 = tpu.vector_load %arg5[%swap3A_310, %swap3A_311] {strides = array<i32>} : memref<64x1024xf32, #tpu.memory_space<vmem>>, vector<16xf32>,
      tpu.vector_store %arg5[%swap3A_310, %swap3A_311], %broadcast_in_dim3A_38 {strides = array<i32>} : memref<64x1024xf32, #tpu.memory_space<vmem>>, vector<16xf32>,
      %add3A_313 = arith.constant 592 : i32
      %add3A_314 = arith.addi %mul3A_128, %add3A_313 : i32
      %swap3A_315 = arith.index_cast %select_n3A : i32 to index
      %swap3A_316 = arith.index_cast %add3A_314 : i32 to index
      %swap3A_317 = tpu.vector_load %arg5[%swap3A_315, %swap3A_316] {strides = array<i32>} : memref<64x1024xf32, #tpu.memory_space<vmem>>, vector<16xf32>,
      tpu.vector_store %arg5[%swap3A_315, %swap3A_316], %broadcast_in_dim3A_38 {strides = array<i32>} : memref<64x1024xf32, #tpu.memory_space<vmem>>, vector<16xf32>,
      %add3A_318 = arith.constant 608 : i32
      %add3A_319 = arith.addi %mul3A_128, %add3A_318 : i32
      %swap3A_320 = arith.index_cast %select_n3A : i32 to index
      %swap3A_321 = arith.index_cast %add3A_319 : i32 to index
      %swap3A_322 = tpu.vector_load %arg5[%swap3A_320, %swap3A_321] {strides = array<i32>} : memref<64x1024xf32, #tpu.memory_space<vmem>>, vector<16xf32>,
      tpu.vector_store %arg5[%swap3A_320, %swap3A_321], %broadcast_in_dim3A_38 {strides = array<i32>} : memref<64x1024xf32, #tpu.memory_space<vmem>>, vector<16xf32>,
      %add3A_323 = arith.constant 624 : i32
      %add3A_324 = arith.addi %mul3A_128, %add3A_323 : i32
      %swap3A_325 = arith.index_cast %select_n3A : i32 to index
      %swap3A_326 = arith.index_cast %add3A_324 : i32 to index
      %swap3A_327 = tpu.vector_load %arg5[%swap3A_325, %swap3A_326] {strides = array<i32>} : memref<64x1024xf32, #tpu.memory_space<vmem>>, vector<16xf32>,
      tpu.vector_store %arg5[%swap3A_325, %swap3A_326], %broadcast_in_dim3A_38 {strides = array<i32>} : memref<64x1024xf32, #tpu.memory_space<vmem>>, vector<16xf32>,
      %add3A_328 = arith.constant 640 : i32
      %add3A_329 = arith.addi %mul3A_128, %add3A_328 : i32
      %swap3A_330 = arith.index_cast %select_n3A : i32 to index
      %swap3A_331 = arith.index_cast %add3A_329 : i32 to index
      %swap3A_332 = tpu.vector_load %arg5[%swap3A_330, %swap3A_331] {strides = array<i32>} : memref<64x1024xf32, #tpu.memory_space<vmem>>, vector<16xf32>,
      tpu.vector_store %arg5[%swap3A_330, %swap3A_331], %broadcast_in_dim3A_38 {strides = array<i32>} : memref<64x1024xf32, #tpu.memory_space<vmem>>, vector<16xf32>,
      %add3A_333 = arith.constant 656 : i32
      %add3A_334 = arith.addi %mul3A_128, %add3A_333 : i32
      %swap3A_335 = arith.index_cast %select_n3A : i32 to index
      %swap3A_336 = arith.index_cast %add3A_334 : i32 to index
      %swap3A_337 = tpu.vector_load %arg5[%swap3A_335, %swap3A_336] {strides = array<i32>} : memref<64x1024xf32, #tpu.memory_space<vmem>>, vector<16xf32>,
      tpu.vector_store %arg5[%swap3A_335, %swap3A_336], %broadcast_in_dim3A_38 {strides = array<i32>} : memref<64x1024xf32, #tpu.memory_space<vmem>>, vector<16xf32>,
      %add3A_338 = arith.constant 672 : i32
      %add3A_339 = arith.addi %mul3A_128, %add3A_338 : i32
      %swap3A_340 = arith.index_cast %select_n3A : i32 to index
      %swap3A_341 = arith.index_cast %add3A_339 : i32 to index
      %swap3A_342 = tpu.vector_load %arg5[%swap3A_340, %swap3A_341] {strides = array<i32>} : memref<64x1024xf32, #tpu.memory_space<vmem>>, vector<16xf32>,
      tpu.vector_store %arg5[%swap3A_340, %swap3A_341], %broadcast_in_dim3A_38 {strides = array<i32>} : memref<64x1024xf32, #tpu.memory_space<vmem>>, vector<16xf32>,
      %add3A_343 = arith.constant 688 : i32
      %add3A_344 = arith.addi %mul3A_128, %add3A_343 : i32
      %swap3A_345 = arith.index_cast %select_n3A : i32 to index
      %swap3A_346 = arith.index_cast %add3A_344 : i32 to index
      %swap3A_347 = tpu.vector_load %arg5[%swap3A_345, %swap3A_346] {strides = array<i32>} : memref<64x1024xf32, #tpu.memory_space<vmem>>, vector<16xf32>,
      tpu.vector_store %arg5[%swap3A_345, %swap3A_346], %broadcast_in_dim3A_38 {strides = array<i32>} : memref<64x1024xf32, #tpu.memory_space<vmem>>, vector<16xf32>,
      %add3A_348 = arith.constant 704 : i32
      %add3A_349 = arith.addi %mul3A_128, %add3A_348 : i32
      %swap3A_350 = arith.index_cast %select_n3A : i32 to index
      %swap3A_351 = arith.index_cast %add3A_349 : i32 to index
      %swap3A_352 = tpu.vector_load %arg5[%swap3A_350, %swap3A_351] {strides = array<i32>} : memref<64x1024xf32, #tpu.memory_space<vmem>>, vector<16xf32>,
      tpu.vector_store %arg5[%swap3A_350, %swap3A_351], %broadcast_in_dim3A_38 {strides = array<i32>} : memref<64x1024xf32, #tpu.memory_space<vmem>>, vector<16xf32>,
      %add3A_353 = arith.constant 720 : i32
      %add3A_354 = arith.addi %mul3A_128, %add3A_353 : i32
      %swap3A_355 = arith.index_cast %select_n3A : i32 to index
      %swap3A_356 = arith.index_cast %add3A_354 : i32 to index
      %swap3A_357 = tpu.vector_load %arg5[%swap3A_355, %swap3A_356] {strides = array<i32>} : memref<64x1024xf32, #tpu.memory_space<vmem>>, vector<16xf32>,
      tpu.vector_store %arg5[%swap3A_355, %swap3A_356], %broadcast_in_dim3A_38 {strides = array<i32>} : memref<64x1024xf32, #tpu.memory_space<vmem>>, vector<16xf32>,
      %add3A_358 = arith.constant 736 : i32
      %add3A_359 = arith.addi %mul3A_128, %add3A_358 : i32
      %swap3A_360 = arith.index_cast %select_n3A : i32 to index
      %swap3A_361 = arith.index_cast %add3A_359 : i32 to index
      %swap3A_362 = tpu.vector_load %arg5[%swap3A_360, %swap3A_361] {strides = array<i32>} : memref<64x1024xf32, #tpu.memory_space<vmem>>, vector<16xf32>,
      tpu.vector_store %arg5[%swap3A_360, %swap3A_361], %broadcast_in_dim3A_38 {strides = array<i32>} : memref<64x1024xf32, #tpu.memory_space<vmem>>, vector<16xf32>,
      %add3A_363 = arith.constant 752 : i32
      %add3A_364 = arith.addi %mul3A_128, %add3A_363 : i32
      %swap3A_365 = arith.index_cast %select_n3A : i32 to index
      %swap3A_366 = arith.index_cast %add3A_364 : i32 to index
      %swap3A_367 = tpu.vector_load %arg5[%swap3A_365, %swap3A_366] {strides = array<i32>} : memref<64x1024xf32, #tpu.memory_space<vmem>>, vector<16xf32>,
      tpu.vector_store %arg5[%swap3A_365, %swap3A_366], %broadcast_in_dim3A_38 {strides = array<i32>} : memref<64x1024xf32, #tpu.memory_space<vmem>>, vector<16xf32>,
      %add3A_368 = arith.constant 768 : i32
      %add3A_369 = arith.addi %mul3A_128, %add3A_368 : i32
      %swap3A_370 = arith.index_cast %select_n3A : i32 to index
      %swap3A_371 = arith.index_cast %add3A_369 : i32 to index
      %swap3A_372 = tpu.vector_load %arg5[%swap3A_370, %swap3A_371] {strides = array<i32>} : memref<64x1024xf32, #tpu.memory_space<vmem>>, vector<16xf32>,
      tpu.vector_store %arg5[%swap3A_370, %swap3A_371], %broadcast_in_dim3A_38 {strides = array<i32>} : memref<64x1024xf32, #tpu.memory_space<vmem>>, vector<16xf32>,
      %add3A_373 = arith.constant 784 : i32
      %add3A_374 = arith.addi %mul3A_128, %add3A_373 : i32
      %swap3A_375 = arith.index_cast %select_n3A : i32 to index
      %swap3A_376 = arith.index_cast %add3A_374 : i32 to index
      %swap3A_377 = tpu.vector_load %arg5[%swap3A_375, %swap3A_376] {strides = array<i32>} : memref<64x1024xf32, #tpu.memory_space<vmem>>, vector<16xf32>,
      tpu.vector_store %arg5[%swap3A_375, %swap3A_376], %broadcast_in_dim3A_38 {strides = array<i32>} : memref<64x1024xf32, #tpu.memory_space<vmem>>, vector<16xf32>,
      %add3A_378 = arith.constant 800 : i32
      %add3A_379 = arith.addi %mul3A_128, %add3A_378 : i32
      %swap3A_380 = arith.index_cast %select_n3A : i32 to index
      %swap3A_381 = arith.index_cast %add3A_379 : i32 to index
      %swap3A_382 = tpu.vector_load %arg5[%swap3A_380, %swap3A_381] {strides = array<i32>} : memref<64x1024xf32, #tpu.memory_space<vmem>>, vector<16xf32>,
      tpu.vector_store %arg5[%swap3A_380, %swap3A_381], %broadcast_in_dim3A_38 {strides = array<i32>} : memref<64x1024xf32, #tpu.memory_space<vmem>>, vector<16xf32>,
      %add3A_383 = arith.constant 816 : i32
      %add3A_384 = arith.addi %mul3A_128, %add3A_383 : i32
      %swap3A_385 = arith.index_cast %select_n3A : i32 to index
      %swap3A_386 = arith.index_cast %add3A_384 : i32 to index
      %swap3A_387 = tpu.vector_load %arg5[%swap3A_385, %swap3A_386] {strides = array<i32>} : memref<64x1024xf32, #tpu.memory_space<vmem>>, vector<16xf32>,
      tpu.vector_store %arg5[%swap3A_385, %swap3A_386], %broadcast_in_dim3A_38 {strides = array<i32>} : memref<64x1024xf32, #tpu.memory_space<vmem>>, vector<16xf32>,
      %add3A_388 = arith.constant 832 : i32
      %add3A_389 = arith.addi %mul3A_128, %add3A_388 : i32
      %swap3A_390 = arith.index_cast %select_n3A : i32 to index
      %swap3A_391 = arith.index_cast %add3A_389 : i32 to index
      %swap3A_392 = tpu.vector_load %arg5[%swap3A_390, %swap3A_391] {strides = array<i32>} : memref<64x1024xf32, #tpu.memory_space<vmem>>, vector<16xf32>,
      tpu.vector_store %arg5[%swap3A_390, %swap3A_391], %broadcast_in_dim3A_38 {strides = array<i32>} : memref<64x1024xf32, #tpu.memory_space<vmem>>, vector<16xf32>,
      %add3A_393 = arith.constant 848 : i32
      %add3A_394 = arith.addi %mul3A_128, %add3A_393 : i32
      %swap3A_395 = arith.index_cast %select_n3A : i32 to index
      %swap3A_396 = arith.index_cast %add3A_394 : i32 to index
      %swap3A_397 = tpu.vector_load %arg5[%swap3A_395, %swap3A_396] {strides = array<i32>} : memref<64x1024xf32, #tpu.memory_space<vmem>>, vector<16xf32>,
      tpu.vector_store %arg5[%swap3A_395, %swap3A_396], %broadcast_in_dim3A_38 {strides = array<i32>} : memref<64x1024xf32, #tpu.memory_space<vmem>>, vector<16xf32>,
      %add3A_398 = arith.constant 864 : i32
      %add3A_399 = arith.addi %mul3A_128, %add3A_398 : i32
      %swap3A_400 = arith.index_cast %select_n3A : i32 to index
      %swap3A_401 = arith.index_cast %add3A_399 : i32 to index
      %swap3A_402 = tpu.vector_load %arg5[%swap3A_400, %swap3A_401] {strides = array<i32>} : memref<64x1024xf32, #tpu.memory_space<vmem>>, vector<16xf32>,
      tpu.vector_store %arg5[%swap3A_400, %swap3A_401], %broadcast_in_dim3A_38 {strides = array<i32>} : memref<64x1024xf32, #tpu.memory_space<vmem>>, vector<16xf32>,
      %add3A_403 = arith.constant 880 : i32
      %add3A_404 = arith.addi %mul3A_128, %add3A_403 : i32
      %swap3A_405 = arith.index_cast %select_n3A : i32 to index
      %swap3A_406 = arith.index_cast %add3A_404 : i32 to index
      %swap3A_407 = tpu.vector_load %arg5[%swap3A_405, %swap3A_406] {strides = array<i32>} : memref<64x1024xf32, #tpu.memory_space<vmem>>, vector<16xf32>,
      tpu.vector_store %arg5[%swap3A_405, %swap3A_406], %broadcast_in_dim3A_38 {strides = array<i32>} : memref<64x1024xf32, #tpu.memory_space<vmem>>, vector<16xf32>,
      %add3A_408 = arith.constant 896 : i32
      %add3A_409 = arith.addi %mul3A_128, %add3A_408 : i32
      %swap3A_410 = arith.index_cast %select_n3A : i32 to index
      %swap3A_411 = arith.index_cast %add3A_409 : i32 to index
      %swap3A_412 = tpu.vector_load %arg5[%swap3A_410, %swap3A_411] {strides = array<i32>} : memref<64x1024xf32, #tpu.memory_space<vmem>>, vector<16xf32>,
      tpu.vector_store %arg5[%swap3A_410, %swap3A_411], %broadcast_in_dim3A_38 {strides = array<i32>} : memref<64x1024xf32, #tpu.memory_space<vmem>>, vector<16xf32>,
      %add3A_413 = arith.constant 912 : i32
      %add3A_414 = arith.addi %mul3A_128, %add3A_413 : i32
      %swap3A_415 = arith.index_cast %select_n3A : i32 to index
      %swap3A_416 = arith.index_cast %add3A_414 : i32 to index
      %swap3A_417 = tpu.vector_load %arg5[%swap3A_415, %swap3A_416] {strides = array<i32>} : memref<64x1024xf32, #tpu.memory_space<vmem>>, vector<16xf32>,
      tpu.vector_store %arg5[%swap3A_415, %swap3A_416], %broadcast_in_dim3A_38 {strides = array<i32>} : memref<64x1024xf32, #tpu.memory_space<vmem>>, vector<16xf32>,
      %add3A_418 = arith.constant 928 : i32
      %add3A_419 = arith.addi %mul3A_128, %add3A_418 : i32
      %swap3A_420 = arith.index_cast %select_n3A : i32 to index
      %swap3A_421 = arith.index_cast %add3A_419 : i32 to index
      %swap3A_422 = tpu.vector_load %arg5[%swap3A_420, %swap3A_421] {strides = array<i32>} : memref<64x1024xf32, #tpu.memory_space<vmem>>, vector<16xf32>,
      tpu.vector_store %arg5[%swap3A_420, %swap3A_421], %broadcast_in_dim3A_38 {strides = array<i32>} : memref<64x1024xf32, #tpu.memory_space<vmem>>, vector<16xf32>,
      %add3A_423 = arith.constant 944 : i32
      %add3A_424 = arith.addi %mul3A_128, %add3A_423 : i32
      %swap3A_425 = arith.index_cast %select_n3A : i32 to index
      %swap3A_426 = arith.index_cast %add3A_424 : i32 to index
      %swap3A_427 = tpu.vector_load %arg5[%swap3A_425, %swap3A_426] {strides = array<i32>} : memref<64x1024xf32, #tpu.memory_space<vmem>>, vector<16xf32>,
      tpu.vector_store %arg5[%swap3A_425, %swap3A_426], %broadcast_in_dim3A_38 {strides = array<i32>} : memref<64x1024xf32, #tpu.memory_space<vmem>>, vector<16xf32>,
      %add3A_428 = arith.constant 960 : i32
      %add3A_429 = arith.addi %mul3A_128, %add3A_428 : i32
      %swap3A_430 = arith.index_cast %select_n3A : i32 to index
      %swap3A_431 = arith.index_cast %add3A_429 : i32 to index
      %swap3A_432 = tpu.vector_load %arg5[%swap3A_430, %swap3A_431] {strides = array<i32>} : memref<64x1024xf32, #tpu.memory_space<vmem>>, vector<16xf32>,
      tpu.vector_store %arg5[%swap3A_430, %swap3A_431], %broadcast_in_dim3A_38 {strides = array<i32>} : memref<64x1024xf32, #tpu.memory_space<vmem>>, vector<16xf32>,
      %add3A_433 = arith.constant 976 : i32
      %add3A_434 = arith.addi %mul3A_128, %add3A_433 : i32
      %swap3A_435 = arith.index_cast %select_n3A : i32 to index
      %swap3A_436 = arith.index_cast %add3A_434 : i32 to index
      %swap3A_437 = tpu.vector_load %arg5[%swap3A_435, %swap3A_436] {strides = array<i32>} : memref<64x1024xf32, #tpu.memory_space<vmem>>, vector<16xf32>,
      tpu.vector_store %arg5[%swap3A_435, %swap3A_436], %broadcast_in_dim3A_38 {strides = array<i32>} : memref<64x1024xf32, #tpu.memory_space<vmem>>, vector<16xf32>,
      %add3A_438 = arith.constant 992 : i32
      %add3A_439 = arith.addi %mul3A_128, %add3A_438 : i32
      %swap3A_440 = arith.index_cast %select_n3A : i32 to index
      %swap3A_441 = arith.index_cast %add3A_439 : i32 to index
      %swap3A_442 = tpu.vector_load %arg5[%swap3A_440, %swap3A_441] {strides = array<i32>} : memref<64x1024xf32, #tpu.memory_space<vmem>>, vector<16xf32>,
      tpu.vector_store %arg5[%swap3A_440, %swap3A_441], %broadcast_in_dim3A_38 {strides = array<i32>} : memref<64x1024xf32, #tpu.memory_space<vmem>>, vector<16xf32>,
      %add3A_443 = arith.constant 1008 : i32
      %add3A_444 = arith.addi %mul3A_128, %add3A_443 : i32
      %swap3A_445 = arith.index_cast %select_n3A : i32 to index
      %swap3A_446 = arith.index_cast %add3A_444 : i32 to index
      %swap3A_447 = tpu.vector_load %arg5[%swap3A_445, %swap3A_446] {strides = array<i32>} : memref<64x1024xf32, #tpu.memory_space<vmem>>, vector<16xf32>,
      tpu.vector_store %arg5[%swap3A_445, %swap3A_446], %broadcast_in_dim3A_38 {strides = array<i32>} : memref<64x1024xf32, #tpu.memory_space<vmem>>, vector<16xf32>,
      %scan3A_448 = arith.constant 0 : i32
      scf.yield %scan3A_448 : i32
    }
    %scan3A_44 = arith.constant 64 : i32
    %dma_wait3A = arith.constant 0 : i32
    %dma_wait3A_45 = arith.constant 0 : i32
    %dma_wait3A_46 = tpu.memref_slice %arg4[%dma_wait3A_45] : memref<4096xf32, #tpu.memory_space<vmem>> -> memref<1024xf32, #tpu.memory_space<vmem>>
    %dma_wait3A_47 = tpu.memref_slice %arg2[%dma_wait3A, %mul3A_2] : memref<4x32768xf32, #tpu.memory_space<hbm>> -> memref<1x1024xf32, #tpu.memory_space<hbm>>
    %dma_wait3A_48 = tpu.memref_squeeze %dma_wait3A_47 : memref<1x1024xf32, #tpu.memory_space<hbm>> -> memref<1024xf32, #tpu.memory_space<hbm>>
    %dma_wait3A_49 = arith.constant 0 : i32
    %dma_wait3A_50 = tpu.memref_slice %arg4[%dma_wait3A_49] : memref<4096xf32, #tpu.memory_space<vmem>> -> memref<1024xf32, #tpu.memory_space<vmem>>
    %dma_wait3A_51 = tpu.memref_slice %arg2[%dma_wait3A, %mul3A_2] : memref<4x32768xf32, #tpu.memory_space<hbm>> -> memref<1x1024xf32, #tpu.memory_space<hbm>>
    %dma_wait3A_52 = tpu.memref_squeeze %dma_wait3A_51 : memref<1x1024xf32, #tpu.memory_space<hbm>> -> memref<1024xf32, #tpu.memory_space<hbm>>
    tpu.wait_dma2 semaphore(%arg6 : memref<!tpu.dma_semaphore, #tpu.memory_space<semaphore_mem>>) src(%dma_wait3A_52 : memref<1024xf32, #tpu.memory_space<hbm>>) dst(%dma_wait3A_50 : memref<1024xf32, #tpu.memory_space<vmem>>)
    %dma_wait3A_53 = arith.constant 1 : i32
    %dma_wait3A_54 = arith.constant 1024 : i32
    %dma_wait3A_55 = tpu.memref_slice %arg4[%dma_wait3A_54] : memref<4096xf32, #tpu.memory_space<vmem>> -> memref<1024xf32, #tpu.memory_space<vmem>>
    %dma_wait3A_56 = tpu.memref_slice %arg2[%dma_wait3A_53, %mul3A_2] : memref<4x32768xf32, #tpu.memory_space<hbm>> -> memref<1x1024xf32, #tpu.memory_space<hbm>>
    %dma_wait3A_57 = tpu.memref_squeeze %dma_wait3A_56 : memref<1x1024xf32, #tpu.memory_space<hbm>> -> memref<1024xf32, #tpu.memory_space<hbm>>
    %dma_wait3A_58 = arith.constant 1024 : i32
    %dma_wait3A_59 = tpu.memref_slice %arg4[%dma_wait3A_58] : memref<4096xf32, #tpu.memory_space<vmem>> -> memref<1024xf32, #tpu.memory_space<vmem>>
    %dma_wait3A_60 = tpu.memref_slice %arg2[%dma_wait3A_53, %mul3A_2] : memref<4x32768xf32, #tpu.memory_space<hbm>> -> memref<1x1024xf32, #tpu.memory_space<hbm>>
    %dma_wait3A_61 = tpu.memref_squeeze %dma_wait3A_60 : memref<1x1024xf32, #tpu.memory_space<hbm>> -> memref<1024xf32, #tpu.memory_space<hbm>>
    tpu.wait_dma2 semaphore(%arg6 : memref<!tpu.dma_semaphore, #tpu.memory_space<semaphore_mem>>) src(%dma_wait3A_61 : memref<1024xf32, #tpu.memory_space<hbm>>) dst(%dma_wait3A_59 : memref<1024xf32, #tpu.memory_space<vmem>>)
    %dma_wait3A_62 = arith.constant 2 : i32
    %dma_wait3A_63 = arith.constant 2048 : i32
    %dma_wait3A_64 = tpu.memref_slice %arg4[%dma_wait3A_63] : memref<4096xf32, #tpu.memory_space<vmem>> -> memref<1024xf32, #tpu.memory_space<vmem>>
    %dma_wait3A_65 = tpu.memref_slice %arg2[%dma_wait3A_62, %mul3A_2] : memref<4x32768xf32, #tpu.memory_space<hbm>> -> memref<1x1024xf32, #tpu.memory_space<hbm>>
    %dma_wait3A_66 = tpu.memref_squeeze %dma_wait3A_65 : memref<1x1024xf32, #tpu.memory_space<hbm>> -> memref<1024xf32, #tpu.memory_space<hbm>>
    %dma_wait3A_67 = arith.constant 2048 : i32
    %dma_wait3A_68 = tpu.memref_slice %arg4[%dma_wait3A_67] : memref<4096xf32, #tpu.memory_space<vmem>> -> memref<1024xf32, #tpu.memory_space<vmem>>
    %dma_wait3A_69 = tpu.memref_slice %arg2[%dma_wait3A_62, %mul3A_2] : memref<4x32768xf32, #tpu.memory_space<hbm>> -> memref<1x1024xf32, #tpu.memory_space<hbm>>
    %dma_wait3A_70 = tpu.memref_squeeze %dma_wait3A_69 : memref<1x1024xf32, #tpu.memory_space<hbm>> -> memref<1024xf32, #tpu.memory_space<hbm>>
    tpu.wait_dma2 semaphore(%arg6 : memref<!tpu.dma_semaphore, #tpu.memory_space<semaphore_mem>>) src(%dma_wait3A_70 : memref<1024xf32, #tpu.memory_space<hbm>>) dst(%dma_wait3A_68 : memref<1024xf32, #tpu.memory_space<vmem>>)
    %dma_wait3A_71 = arith.constant 3 : i32
    %dma_wait3A_72 = arith.constant 3072 : i32
    %dma_wait3A_73 = tpu.memref_slice %arg4[%dma_wait3A_72] : memref<4096xf32, #tpu.memory_space<vmem>> -> memref<1024xf32, #tpu.memory_space<vmem>>
    %dma_wait3A_74 = tpu.memref_slice %arg2[%dma_wait3A_71, %mul3A_2] : memref<4x32768xf32, #tpu.memory_space<hbm>> -> memref<1x1024xf32, #tpu.memory_space<hbm>>
    %dma_wait3A_75 = tpu.memref_squeeze %dma_wait3A_74 : memref<1x1024xf32, #tpu.memory_space<hbm>> -> memref<1024xf32, #tpu.memory_space<hbm>>
    %dma_wait3A_76 = arith.constant 3072 : i32
    %dma_wait3A_77 = tpu.memref_slice %arg4[%dma_wait3A_76] : memref<4096xf32, #tpu.memory_space<vmem>> -> memref<1024xf32, #tpu.memory_space<vmem>>
    %dma_wait3A_78 = tpu.memref_slice %arg2[%dma_wait3A_71, %mul3A_2] : memref<4x32768xf32, #tpu.memory_space<hbm>> -> memref<1x1024xf32, #tpu.memory_space<hbm>>
    %dma_wait3A_79 = tpu.memref_squeeze %dma_wait3A_78 : memref<1x1024xf32, #tpu.memory_space<hbm>> -> memref<1024xf32, #tpu.memory_space<hbm>>
    tpu.wait_dma2 semaphore(%arg6 : memref<!tpu.dma_semaphore, #tpu.memory_space<semaphore_mem>>) src(%dma_wait3A_79 : memref<1024xf32, #tpu.memory_space<hbm>>) dst(%dma_wait3A_77 : memref<1024xf32, #tpu.memory_space<vmem>>)
    %iota3A = tpu.iota {dimensions = array<i32: 0>} : vector<16xi32>
    %scan3A_80 = arith.constant 0 : i32
    %scan3A_81 = arith.constant 0 : i32
    %scan3A_82 = arith.constant 8 : i32
    %scan3A_83 = arith.addi %scan3A_81, %scan3A_82 : i32
    %scan3A_84 = arith.constant 1 : i32
    %scan3A_85 = scf.for %scan3A_95 = %scan3A_81 to %scan3A_83 step %scan3A_84 iter_args(%scan3A_96 = %scan3A_80) -> (i32)  : i32 {
      %mul3A_97 = arith.constant 8 : i32
      %mul3A_98 = arith.muli %scan3A_95, %mul3A_97 : i32
      %add3A_99 = arith.constant 0 : i32
      %add3A_100 = arith.addi %mul3A_98, %add3A_99 : i32
      %mul3A_101 = arith.constant 16 : i32
      %mul3A_102 = arith.muli %add3A_100, %mul3A_101 : i32
      %add3A_103 = vector.broadcast %mul3A_102 : i32 to vector<16xi32>
      %add3A_104 = arith.addi %add3A_103, %iota3A : vector<16xi32>
      %add3A_105 = arith.constant 0 : i32
      %add3A_106 = arith.addi %add3A_105, %mul3A_102 : i32
      %get3A = arith.index_cast %add3A_106 : i32 to index
      %get3A_107 = tpu.vector_load %arg4[%get3A] {strides = array<i32>} : memref<4096xf32, #tpu.memory_space<vmem>>, vector<16xf32>,
      %convert_element_type3A = arith.fptosi %get3A_107 : vector<16xf32> to vector<16xi32>
      %add3A_108 = arith.constant 1024 : i32
      %add3A_109 = arith.addi %add3A_108, %mul3A_102 : i32
      %get3A_110 = arith.index_cast %add3A_109 : i32 to index
      %get3A_111 = tpu.vector_load %arg4[%get3A_110] {strides = array<i32>} : memref<4096xf32, #tpu.memory_space<vmem>>, vector<16xf32>,
      %convert_element_type3A_112 = arith.fptosi %get3A_111 : vector<16xf32> to vector<16xi32>
      %add3A_113 = arith.constant 2048 : i32
      %add3A_114 = arith.addi %add3A_113, %mul3A_102 : i32
      %get3A_115 = arith.index_cast %add3A_114 : i32 to index
      %get3A_116 = tpu.vector_load %arg4[%get3A_115] {strides = array<i32>} : memref<4096xf32, #tpu.memory_space<vmem>>, vector<16xf32>,
      %add3A_117 = arith.constant 3072 : i32
      %add3A_118 = arith.addi %add3A_117, %mul3A_102 : i32
      %get3A_119 = arith.index_cast %add3A_118 : i32 to index
      %get3A_120 = tpu.vector_load %arg4[%get3A_119] {strides = array<i32>} : memref<4096xf32, #tpu.memory_space<vmem>>, vector<16xf32>,
      tpu.vector_store_idx %arg5[%convert_element_type3A, %add3A_104], %get3A_116 : memref<64x1024xf32, #tpu.memory_space<vmem>>[vector<16xi32>, vector<16xi32>], vector<16xf32>,
      tpu.vector_store_idx %arg5[%convert_element_type3A_112, %add3A_104], %get3A_120 : memref<64x1024xf32, #tpu.memory_space<vmem>>[vector<16xi32>, vector<16xi32>], vector<16xf32>,
      %mul3A_121 = arith.constant 8 : i32
      %mul3A_122 = arith.muli %scan3A_95, %mul3A_121 : i32
      %add3A_123 = arith.constant 1 : i32
      %add3A_124 = arith.addi %mul3A_122, %add3A_123 : i32
      %mul3A_125 = arith.constant 16 : i32
      %mul3A_126 = arith.muli %add3A_124, %mul3A_125 : i32
      %add3A_127 = vector.broadcast %mul3A_126 : i32 to vector<16xi32>
      %add3A_128 = arith.addi %add3A_127, %iota3A : vector<16xi32>
      %add3A_129 = arith.constant 0 : i32
      %add3A_130 = arith.addi %add3A_129, %mul3A_126 : i32
      %get3A_131 = arith.index_cast %add3A_130 : i32 to index
      %get3A_132 = tpu.vector_load %arg4[%get3A_131] {strides = array<i32>} : memref<4096xf32, #tpu.memory_space<vmem>>, vector<16xf32>,
      %convert_element_type3A_133 = arith.fptosi %get3A_132 : vector<16xf32> to vector<16xi32>
      %add3A_134 = arith.constant 1024 : i32
      %add3A_135 = arith.addi %add3A_134, %mul3A_126 : i32
      %get3A_136 = arith.index_cast %add3A_135 : i32 to index
      %get3A_137 = tpu.vector_load %arg4[%get3A_136] {strides = array<i32>} : memref<4096xf32, #tpu.memory_space<vmem>>, vector<16xf32>,
      %convert_element_type3A_138 = arith.fptosi %get3A_137 : vector<16xf32> to vector<16xi32>
      %add3A_139 = arith.constant 2048 : i32
      %add3A_140 = arith.addi %add3A_139, %mul3A_126 : i32
      %get3A_141 = arith.index_cast %add3A_140 : i32 to index
      %get3A_142 = tpu.vector_load %arg4[%get3A_141] {strides = array<i32>} : memref<4096xf32, #tpu.memory_space<vmem>>, vector<16xf32>,
      %add3A_143 = arith.constant 3072 : i32
      %add3A_144 = arith.addi %add3A_143, %mul3A_126 : i32
      %get3A_145 = arith.index_cast %add3A_144 : i32 to index
      %get3A_146 = tpu.vector_load %arg4[%get3A_145] {strides = array<i32>} : memref<4096xf32, #tpu.memory_space<vmem>>, vector<16xf32>,
      tpu.vector_store_idx %arg5[%convert_element_type3A_133, %add3A_128], %get3A_142 : memref<64x1024xf32, #tpu.memory_space<vmem>>[vector<16xi32>, vector<16xi32>], vector<16xf32>,
      tpu.vector_store_idx %arg5[%convert_element_type3A_138, %add3A_128], %get3A_146 : memref<64x1024xf32, #tpu.memory_space<vmem>>[vector<16xi32>, vector<16xi32>], vector<16xf32>,
      %mul3A_147 = arith.constant 8 : i32
      %mul3A_148 = arith.muli %scan3A_95, %mul3A_147 : i32
      %add3A_149 = arith.constant 2 : i32
      %add3A_150 = arith.addi %mul3A_148, %add3A_149 : i32
      %mul3A_151 = arith.constant 16 : i32
      %mul3A_152 = arith.muli %add3A_150, %mul3A_151 : i32
      %add3A_153 = vector.broadcast %mul3A_152 : i32 to vector<16xi32>
      %add3A_154 = arith.addi %add3A_153, %iota3A : vector<16xi32>
      %add3A_155 = arith.constant 0 : i32
      %add3A_156 = arith.addi %add3A_155, %mul3A_152 : i32
      %get3A_157 = arith.index_cast %add3A_156 : i32 to index
      %get3A_158 = tpu.vector_load %arg4[%get3A_157] {strides = array<i32>} : memref<4096xf32, #tpu.memory_space<vmem>>, vector<16xf32>,
      %convert_element_type3A_159 = arith.fptosi %get3A_158 : vector<16xf32> to vector<16xi32>
      %add3A_160 = arith.constant 1024 : i32
      %add3A_161 = arith.addi %add3A_160, %mul3A_152 : i32
      %get3A_162 = arith.index_cast %add3A_161 : i32 to index
      %get3A_163 = tpu.vector_load %arg4[%get3A_162] {strides = array<i32>} : memref<4096xf32, #tpu.memory_space<vmem>>, vector<16xf32>,
      %convert_element_type3A_164 = arith.fptosi %get3A_163 : vector<16xf32> to vector<16xi32>
      %add3A_165 = arith.constant 2048 : i32
      %add3A_166 = arith.addi %add3A_165, %mul3A_152 : i32
      %get3A_167 = arith.index_cast %add3A_166 : i32 to index
      %get3A_168 = tpu.vector_load %arg4[%get3A_167] {strides = array<i32>} : memref<4096xf32, #tpu.memory_space<vmem>>, vector<16xf32>,
      %add3A_169 = arith.constant 3072 : i32
      %add3A_170 = arith.addi %add3A_169, %mul3A_152 : i32
      %get3A_171 = arith.index_cast %add3A_170 : i32 to index
      %get3A_172 = tpu.vector_load %arg4[%get3A_171] {strides = array<i32>} : memref<4096xf32, #tpu.memory_space<vmem>>, vector<16xf32>,
      tpu.vector_store_idx %arg5[%convert_element_type3A_159, %add3A_154], %get3A_168 : memref<64x1024xf32, #tpu.memory_space<vmem>>[vector<16xi32>, vector<16xi32>], vector<16xf32>,
      tpu.vector_store_idx %arg5[%convert_element_type3A_164, %add3A_154], %get3A_172 : memref<64x1024xf32, #tpu.memory_space<vmem>>[vector<16xi32>, vector<16xi32>], vector<16xf32>,
      %mul3A_173 = arith.constant 8 : i32
      %mul3A_174 = arith.muli %scan3A_95, %mul3A_173 : i32
      %add3A_175 = arith.constant 3 : i32
      %add3A_176 = arith.addi %mul3A_174, %add3A_175 : i32
      %mul3A_177 = arith.constant 16 : i32
      %mul3A_178 = arith.muli %add3A_176, %mul3A_177 : i32
      %add3A_179 = vector.broadcast %mul3A_178 : i32 to vector<16xi32>
      %add3A_180 = arith.addi %add3A_179, %iota3A : vector<16xi32>
      %add3A_181 = arith.constant 0 : i32
      %add3A_182 = arith.addi %add3A_181, %mul3A_178 : i32
      %get3A_183 = arith.index_cast %add3A_182 : i32 to index
      %get3A_184 = tpu.vector_load %arg4[%get3A_183] {strides = array<i32>} : memref<4096xf32, #tpu.memory_space<vmem>>, vector<16xf32>,
      %convert_element_type3A_185 = arith.fptosi %get3A_184 : vector<16xf32> to vector<16xi32>
      %add3A_186 = arith.constant 1024 : i32
      %add3A_187 = arith.addi %add3A_186, %mul3A_178 : i32
      %get3A_188 = arith.index_cast %add3A_187 : i32 to index
      %get3A_189 = tpu.vector_load %arg4[%get3A_188] {strides = array<i32>} : memref<4096xf32, #tpu.memory_space<vmem>>, vector<16xf32>,
      %convert_element_type3A_190 = arith.fptosi %get3A_189 : vector<16xf32> to vector<16xi32>
      %add3A_191 = arith.constant 2048 : i32
      %add3A_192 = arith.addi %add3A_191, %mul3A_178 : i32
      %get3A_193 = arith.index_cast %add3A_192 : i32 to index
      %get3A_194 = tpu.vector_load %arg4[%get3A_193] {strides = array<i32>} : memref<4096xf32, #tpu.memory_space<vmem>>, vector<16xf32>,
      %add3A_195 = arith.constant 3072 : i32
      %add3A_196 = arith.addi %add3A_195, %mul3A_178 : i32
      %get3A_197 = arith.index_cast %add3A_196 : i32 to index
      %get3A_198 = tpu.vector_load %arg4[%get3A_197] {strides = array<i32>} : memref<4096xf32, #tpu.memory_space<vmem>>, vector<16xf32>,
      tpu.vector_store_idx %arg5[%convert_element_type3A_185, %add3A_180], %get3A_194 : memref<64x1024xf32, #tpu.memory_space<vmem>>[vector<16xi32>, vector<16xi32>], vector<16xf32>,
      tpu.vector_store_idx %arg5[%convert_element_type3A_190, %add3A_180], %get3A_198 : memref<64x1024xf32, #tpu.memory_space<vmem>>[vector<16xi32>, vector<16xi32>], vector<16xf32>,
      %mul3A_199 = arith.constant 8 : i32
      %mul3A_200 = arith.muli %scan3A_95, %mul3A_199 : i32
      %add3A_201 = arith.constant 4 : i32
      %add3A_202 = arith.addi %mul3A_200, %add3A_201 : i32
      %mul3A_203 = arith.constant 16 : i32
      %mul3A_204 = arith.muli %add3A_202, %mul3A_203 : i32
      %add3A_205 = vector.broadcast %mul3A_204 : i32 to vector<16xi32>
      %add3A_206 = arith.addi %add3A_205, %iota3A : vector<16xi32>
      %add3A_207 = arith.constant 0 : i32
      %add3A_208 = arith.addi %add3A_207, %mul3A_204 : i32
      %get3A_209 = arith.index_cast %add3A_208 : i32 to index
      %get3A_210 = tpu.vector_load %arg4[%get3A_209] {strides = array<i32>} : memref<4096xf32, #tpu.memory_space<vmem>>, vector<16xf32>,
      %convert_element_type3A_211 = arith.fptosi %get3A_210 : vector<16xf32> to vector<16xi32>
      %add3A_212 = arith.constant 1024 : i32
      %add3A_213 = arith.addi %add3A_212, %mul3A_204 : i32
      %get3A_214 = arith.index_cast %add3A_213 : i32 to index
      %get3A_215 = tpu.vector_load %arg4[%get3A_214] {strides = array<i32>} : memref<4096xf32, #tpu.memory_space<vmem>>, vector<16xf32>,
      %convert_element_type3A_216 = arith.fptosi %get3A_215 : vector<16xf32> to vector<16xi32>
      %add3A_217 = arith.constant 2048 : i32
      %add3A_218 = arith.addi %add3A_217, %mul3A_204 : i32
      %get3A_219 = arith.index_cast %add3A_218 : i32 to index
      %get3A_220 = tpu.vector_load %arg4[%get3A_219] {strides = array<i32>} : memref<4096xf32, #tpu.memory_space<vmem>>, vector<16xf32>,
      %add3A_221 = arith.constant 3072 : i32
      %add3A_222 = arith.addi %add3A_221, %mul3A_204 : i32
      %get3A_223 = arith.index_cast %add3A_222 : i32 to index
      %get3A_224 = tpu.vector_load %arg4[%get3A_223] {strides = array<i32>} : memref<4096xf32, #tpu.memory_space<vmem>>, vector<16xf32>,
      tpu.vector_store_idx %arg5[%convert_element_type3A_211, %add3A_206], %get3A_220 : memref<64x1024xf32, #tpu.memory_space<vmem>>[vector<16xi32>, vector<16xi32>], vector<16xf32>,
      tpu.vector_store_idx %arg5[%convert_element_type3A_216, %add3A_206], %get3A_224 : memref<64x1024xf32, #tpu.memory_space<vmem>>[vector<16xi32>, vector<16xi32>], vector<16xf32>,
      %mul3A_225 = arith.constant 8 : i32
      %mul3A_226 = arith.muli %scan3A_95, %mul3A_225 : i32
      %add3A_227 = arith.constant 5 : i32
      %add3A_228 = arith.addi %mul3A_226, %add3A_227 : i32
      %mul3A_229 = arith.constant 16 : i32
      %mul3A_230 = arith.muli %add3A_228, %mul3A_229 : i32
      %add3A_231 = vector.broadcast %mul3A_230 : i32 to vector<16xi32>
      %add3A_232 = arith.addi %add3A_231, %iota3A : vector<16xi32>
      %add3A_233 = arith.constant 0 : i32
      %add3A_234 = arith.addi %add3A_233, %mul3A_230 : i32
      %get3A_235 = arith.index_cast %add3A_234 : i32 to index
      %get3A_236 = tpu.vector_load %arg4[%get3A_235] {strides = array<i32>} : memref<4096xf32, #tpu.memory_space<vmem>>, vector<16xf32>,
      %convert_element_type3A_237 = arith.fptosi %get3A_236 : vector<16xf32> to vector<16xi32>
      %add3A_238 = arith.constant 1024 : i32
      %add3A_239 = arith.addi %add3A_238, %mul3A_230 : i32
      %get3A_240 = arith.index_cast %add3A_239 : i32 to index
      %get3A_241 = tpu.vector_load %arg4[%get3A_240] {strides = array<i32>} : memref<4096xf32, #tpu.memory_space<vmem>>, vector<16xf32>,
      %convert_element_type3A_242 = arith.fptosi %get3A_241 : vector<16xf32> to vector<16xi32>
      %add3A_243 = arith.constant 2048 : i32
      %add3A_244 = arith.addi %add3A_243, %mul3A_230 : i32
      %get3A_245 = arith.index_cast %add3A_244 : i32 to index
      %get3A_246 = tpu.vector_load %arg4[%get3A_245] {strides = array<i32>} : memref<4096xf32, #tpu.memory_space<vmem>>, vector<16xf32>,
      %add3A_247 = arith.constant 3072 : i32
      %add3A_248 = arith.addi %add3A_247, %mul3A_230 : i32
      %get3A_249 = arith.index_cast %add3A_248 : i32 to index
      %get3A_250 = tpu.vector_load %arg4[%get3A_249] {strides = array<i32>} : memref<4096xf32, #tpu.memory_space<vmem>>, vector<16xf32>,
      tpu.vector_store_idx %arg5[%convert_element_type3A_237, %add3A_232], %get3A_246 : memref<64x1024xf32, #tpu.memory_space<vmem>>[vector<16xi32>, vector<16xi32>], vector<16xf32>,
      tpu.vector_store_idx %arg5[%convert_element_type3A_242, %add3A_232], %get3A_250 : memref<64x1024xf32, #tpu.memory_space<vmem>>[vector<16xi32>, vector<16xi32>], vector<16xf32>,
      %mul3A_251 = arith.constant 8 : i32
      %mul3A_252 = arith.muli %scan3A_95, %mul3A_251 : i32
      %add3A_253 = arith.constant 6 : i32
      %add3A_254 = arith.addi %mul3A_252, %add3A_253 : i32
      %mul3A_255 = arith.constant 16 : i32
      %mul3A_256 = arith.muli %add3A_254, %mul3A_255 : i32
      %add3A_257 = vector.broadcast %mul3A_256 : i32 to vector<16xi32>
      %add3A_258 = arith.addi %add3A_257, %iota3A : vector<16xi32>
      %add3A_259 = arith.constant 0 : i32
      %add3A_260 = arith.addi %add3A_259, %mul3A_256 : i32
      %get3A_261 = arith.index_cast %add3A_260 : i32 to index
      %get3A_262 = tpu.vector_load %arg4[%get3A_261] {strides = array<i32>} : memref<4096xf32, #tpu.memory_space<vmem>>, vector<16xf32>,
      %convert_element_type3A_263 = arith.fptosi %get3A_262 : vector<16xf32> to vector<16xi32>
      %add3A_264 = arith.constant 1024 : i32
      %add3A_265 = arith.addi %add3A_264, %mul3A_256 : i32
      %get3A_266 = arith.index_cast %add3A_265 : i32 to index
      %get3A_267 = tpu.vector_load %arg4[%get3A_266] {strides = array<i32>} : memref<4096xf32, #tpu.memory_space<vmem>>, vector<16xf32>,
      %convert_element_type3A_268 = arith.fptosi %get3A_267 : vector<16xf32> to vector<16xi32>
      %add3A_269 = arith.constant 2048 : i32
      %add3A_270 = arith.addi %add3A_269, %mul3A_256 : i32
      %get3A_271 = arith.index_cast %add3A_270 : i32 to index
      %get3A_272 = tpu.vector_load %arg4[%get3A_271] {strides = array<i32>} : memref<4096xf32, #tpu.memory_space<vmem>>, vector<16xf32>,
      %add3A_273 = arith.constant 3072 : i32
      %add3A_274 = arith.addi %add3A_273, %mul3A_256 : i32
      %get3A_275 = arith.index_cast %add3A_274 : i32 to index
      %get3A_276 = tpu.vector_load %arg4[%get3A_275] {strides = array<i32>} : memref<4096xf32, #tpu.memory_space<vmem>>, vector<16xf32>,
      tpu.vector_store_idx %arg5[%convert_element_type3A_263, %add3A_258], %get3A_272 : memref<64x1024xf32, #tpu.memory_space<vmem>>[vector<16xi32>, vector<16xi32>], vector<16xf32>,
      tpu.vector_store_idx %arg5[%convert_element_type3A_268, %add3A_258], %get3A_276 : memref<64x1024xf32, #tpu.memory_space<vmem>>[vector<16xi32>, vector<16xi32>], vector<16xf32>,
      %mul3A_277 = arith.constant 8 : i32
      %mul3A_278 = arith.muli %scan3A_95, %mul3A_277 : i32
      %add3A_279 = arith.constant 7 : i32
      %add3A_280 = arith.addi %mul3A_278, %add3A_279 : i32
      %mul3A_281 = arith.constant 16 : i32
      %mul3A_282 = arith.muli %add3A_280, %mul3A_281 : i32
      %add3A_283 = vector.broadcast %mul3A_282 : i32 to vector<16xi32>
      %add3A_284 = arith.addi %add3A_283, %iota3A : vector<16xi32>
      %add3A_285 = arith.constant 0 : i32
      %add3A_286 = arith.addi %add3A_285, %mul3A_282 : i32
      %get3A_287 = arith.index_cast %add3A_286 : i32 to index
      %get3A_288 = tpu.vector_load %arg4[%get3A_287] {strides = array<i32>} : memref<4096xf32, #tpu.memory_space<vmem>>, vector<16xf32>,
      %convert_element_type3A_289 = arith.fptosi %get3A_288 : vector<16xf32> to vector<16xi32>
      %add3A_290 = arith.constant 1024 : i32
      %add3A_291 = arith.addi %add3A_290, %mul3A_282 : i32
      %get3A_292 = arith.index_cast %add3A_291 : i32 to index
      %get3A_293 = tpu.vector_load %arg4[%get3A_292] {strides = array<i32>} : memref<4096xf32, #tpu.memory_space<vmem>>, vector<16xf32>,
      %convert_element_type3A_294 = arith.fptosi %get3A_293 : vector<16xf32> to vector<16xi32>
      %add3A_295 = arith.constant 2048 : i32
      %add3A_296 = arith.addi %add3A_295, %mul3A_282 : i32
      %get3A_297 = arith.index_cast %add3A_296 : i32 to index
      %get3A_298 = tpu.vector_load %arg4[%get3A_297] {strides = array<i32>} : memref<4096xf32, #tpu.memory_space<vmem>>, vector<16xf32>,
      %add3A_299 = arith.constant 3072 : i32
      %add3A_300 = arith.addi %add3A_299, %mul3A_282 : i32
      %get3A_301 = arith.index_cast %add3A_300 : i32 to index
      %get3A_302 = tpu.vector_load %arg4[%get3A_301] {strides = array<i32>} : memref<4096xf32, #tpu.memory_space<vmem>>, vector<16xf32>,
      tpu.vector_store_idx %arg5[%convert_element_type3A_289, %add3A_284], %get3A_298 : memref<64x1024xf32, #tpu.memory_space<vmem>>[vector<16xi32>, vector<16xi32>], vector<16xf32>,
      tpu.vector_store_idx %arg5[%convert_element_type3A_294, %add3A_284], %get3A_302 : memref<64x1024xf32, #tpu.memory_space<vmem>>[vector<16xi32>, vector<16xi32>], vector<16xf32>,
      %scan3A_303 = arith.constant 0 : i32
      scf.yield %scan3A_303 : i32
    }
    %scan3A_86 = arith.constant 8 : i32
    %dma_start3A_87 = arith.constant 0 : i32
    %dma_start3A_88 = tpu.memref_slice %arg3[%dma_start3A_87, %mul3A_2] : memref<64x32768xf32, #tpu.memory_space<hbm>> -> memref<64x1024xf32, #tpu.memory_space<hbm>>
    %dma_start3A_89 = arith.constant 0 : i32
    %dma_start3A_90 = tpu.memref_slice %arg3[%dma_start3A_89, %mul3A_2] : memref<64x32768xf32, #tpu.memory_space<hbm>> -> memref<64x1024xf32, #tpu.memory_space<hbm>>
    tpu.enqueue_dma source(%arg5 : memref<64x1024xf32, #tpu.memory_space<vmem>>) target(%dma_start3A_90 : memref<64x1024xf32, #tpu.memory_space<hbm>>) target_semaphore(%arg6 : memref<!tpu.dma_semaphore, #tpu.memory_space<semaphore_mem>>)
    %dma_wait3A_91 = arith.constant 0 : i32
    %dma_wait3A_92 = tpu.memref_slice %arg3[%dma_wait3A_91, %mul3A_2] : memref<64x32768xf32, #tpu.memory_space<hbm>> -> memref<64x1024xf32, #tpu.memory_space<hbm>>
    %dma_wait3A_93 = arith.constant 0 : i32
    %dma_wait3A_94 = tpu.memref_slice %arg3[%dma_wait3A_93, %mul3A_2] : memref<64x32768xf32, #tpu.memory_space<hbm>> -> memref<64x1024xf32, #tpu.memory_space<hbm>>
    tpu.wait_dma2 semaphore(%arg6 : memref<!tpu.dma_semaphore, #tpu.memory_space<semaphore_mem>>) src(%arg5 : memref<64x1024xf32, #tpu.memory_space<vmem>>) dst(%dma_wait3A_94 : memref<64x1024xf32, #tpu.memory_space<hbm>>)
    return
  }
}

module attributes {stable_mosaic.version = 14 : i64} {
  func.func @_router_body(%arg0: i32, %arg1: memref<4096x768xf32, #tpu.memory_space<vmem>>, %arg2: memref<64x768xf32, #tpu.memory_space<vmem>>, %arg3: memref<64x4096xf32, #tpu.memory_space<vmem>>, %arg4: memref<4x4096xf32, #tpu.memory_space<vmem>>) attributes {dimension_semantics = [#tpu.dimension_semantics<arbitrary>], iteration_bounds = array<i64: 8>, scalar_prefetch = 0 : i64, scratch_operands = 0 : i64, tpu.core_type = #tpu.core_type<tc>, window_params = [{transform_indices = @transform_0, window_bounds = array<i64: 4096, 768>}, {pipeline_mode = #tpu.pipeline_mode<synchronous>, transform_indices = @transform_1, window_bounds = array<i64: 64, 768>}, {transform_indices = @transform_2, window_bounds = array<i64: 64, 4096>}, {transform_indices = @transform_3, window_bounds = array<i64: 4, 4096>}]} {
    %get3A = arith.constant 0 : index
    %get3A_0 = arith.constant 0 : index
    %get3A_1 = vector.load %arg1[%get3A, %get3A_0] : memref<4096x768xf32, #tpu.memory_space<vmem>>, vector<4096x768xf32>
    %get3A_2 = arith.constant 0 : index
    %get3A_3 = arith.constant 0 : index
    %get3A_4 = vector.load %arg2[%get3A_2, %get3A_3] : memref<64x768xf32, #tpu.memory_space<vmem>>, vector<64x768xf32>
    %dot_general3A = arith.constant dense<0.000000e+00> : vector<64x4096xf32>
    %dot_general3A_5 = tpu.matmul %get3A_4, %get3A_1, %dot_general3A {dimension_numbers = #tpu.dot_dimension_numbers<[1], [1], [0], [0], [0, 0, 1, 0], [], []>, transpose_lhs_hint = false} : vector<64x768xf32>, vector<4096x768xf32>, vector<64x4096xf32> -> vector<64x4096xf32>
    %swap3A = arith.constant 0 : index
    %swap3A_6 = arith.constant 0 : index
    %swap3A_7 = vector.load %arg3[%swap3A, %swap3A_6] : memref<64x4096xf32, #tpu.memory_space<vmem>>, vector<64x4096xf32>
    tpu.vector_store %arg3[%swap3A, %swap3A_6], %dot_general3A_5 {strides = array<i32>} : memref<64x4096xf32, #tpu.memory_space<vmem>>, vector<64x4096xf32>,
    %reduce_max3A = arith.constant dense<0xFF800000> : vector<4096xf32>
    %reduce_max3A_8 = vector.multi_reduction <maximumf>, %dot_general3A_5, %reduce_max3A [0] : vector<64x4096xf32> to vector<4096xf32>
    %broadcast_in_dim3A = vector.shape_cast %reduce_max3A_8 : vector<4096xf32> to vector<1x4096xf32>
    %sub3A = vector.broadcast %broadcast_in_dim3A : vector<1x4096xf32> to vector<64x4096xf32>
    %sub3A_9 = arith.subf %dot_general3A_5, %sub3A : vector<64x4096xf32>
    %exp3A = math.exp %sub3A_9 : vector<64x4096xf32>
    %reduce_sum3A = arith.constant dense<0.000000e+00> : vector<4096xf32>
    %reduce_sum3A_10 = vector.multi_reduction <add>, %exp3A, %reduce_sum3A [0] : vector<64x4096xf32> to vector<4096xf32>
    %broadcast_in_dim3A_11 = vector.shape_cast %reduce_sum3A_10 : vector<4096xf32> to vector<1x4096xf32>
    %div3A = vector.broadcast %broadcast_in_dim3A_11 : vector<1x4096xf32> to vector<64x4096xf32>
    %div3A_12 = arith.divf %exp3A, %div3A : vector<64x4096xf32>
    %iota3A = tpu.iota {dimensions = array<i32: 0>} : vector<64x4096xi32>
    %convert_element_type3A = arith.sitofp %iota3A : vector<64x4096xi32> to vector<64x4096xf32>
    %reduce_max3A_13 = arith.constant dense<0xFF800000> : vector<4096xf32>
    %reduce_max3A_14 = vector.multi_reduction <maximumf>, %div3A_12, %reduce_max3A_13 [0] : vector<64x4096xf32> to vector<4096xf32>
    %broadcast_in_dim3A_15 = vector.shape_cast %reduce_max3A_14 : vector<4096xf32> to vector<1x4096xf32>
    %eq3A = vector.broadcast %broadcast_in_dim3A_15 : vector<1x4096xf32> to vector<64x4096xf32>
    %eq3A_16 = arith.cmpf oeq, %div3A_12, %eq3A : vector<64x4096xf32>
    %jit3A = arith.constant 6.400000e+01 : f32
    %broadcast_in_dim3A_17 = vector.broadcast %jit3A : f32 to vector<64x4096xf32>
    %select_n3A = arith.select %eq3A_16, %convert_element_type3A, %broadcast_in_dim3A_17 : vector<64x4096xi1>, vector<64x4096xf32>
    %reduce_min3A = arith.constant dense<0x7F800000> : vector<4096xf32>
    %reduce_min3A_18 = vector.multi_reduction <minimumf>, %select_n3A, %reduce_min3A [0] : vector<64x4096xf32> to vector<4096xf32>
    %broadcast_in_dim3A_19 = vector.shape_cast %reduce_min3A_18 : vector<4096xf32> to vector<1x4096xf32>
    %eq3A_20 = vector.broadcast %broadcast_in_dim3A_19 : vector<1x4096xf32> to vector<64x4096xf32>
    %eq3A_21 = arith.cmpf oeq, %convert_element_type3A, %eq3A_20 : vector<64x4096xf32>
    %jit3A_22 = arith.constant -1.000000e+00 : f32
    %broadcast_in_dim3A_23 = vector.broadcast %jit3A_22 : f32 to vector<64x4096xf32>
    %select_n3A_24 = arith.select %eq3A_21, %broadcast_in_dim3A_23, %div3A_12 : vector<64x4096xi1>, vector<64x4096xf32>
    %reduce_max3A_25 = arith.constant dense<0xFF800000> : vector<4096xf32>
    %reduce_max3A_26 = vector.multi_reduction <maximumf>, %select_n3A_24, %reduce_max3A_25 [0] : vector<64x4096xf32> to vector<4096xf32>
    %broadcast_in_dim3A_27 = vector.shape_cast %reduce_max3A_26 : vector<4096xf32> to vector<1x4096xf32>
    %eq3A_28 = vector.broadcast %broadcast_in_dim3A_27 : vector<1x4096xf32> to vector<64x4096xf32>
    %eq3A_29 = arith.cmpf oeq, %select_n3A_24, %eq3A_28 : vector<64x4096xf32>
    %jit3A_30 = arith.constant 6.400000e+01 : f32
    %broadcast_in_dim3A_31 = vector.broadcast %jit3A_30 : f32 to vector<64x4096xf32>
    %select_n3A_32 = arith.select %eq3A_29, %convert_element_type3A, %broadcast_in_dim3A_31 : vector<64x4096xi1>, vector<64x4096xf32>
    %reduce_min3A_33 = arith.constant dense<0x7F800000> : vector<4096xf32>
    %reduce_min3A_34 = vector.multi_reduction <minimumf>, %select_n3A_32, %reduce_min3A_33 [0] : vector<64x4096xf32> to vector<4096xf32>
    %broadcast_in_dim3A_35 = vector.shape_cast %reduce_min3A_34 : vector<4096xf32> to vector<1x4096xf32>
    %eq3A_36 = arith.constant 6.300000e+01 : f32
    %eq3A_37 = vector.broadcast %eq3A_36 : f32 to vector<1x4096xf32>
    %eq3A_38 = arith.cmpf oeq, %broadcast_in_dim3A_19, %eq3A_37 : vector<1x4096xf32>
    %jit3A_39 = arith.constant 0.000000e+00 : f32
    %broadcast_in_dim3A_40 = vector.broadcast %jit3A_39 : f32 to vector<1x4096xf32>
    %select_n3A_41 = arith.select %eq3A_38, %broadcast_in_dim3A_40, %broadcast_in_dim3A_15 : vector<1x4096xi1>, vector<1x4096xf32>
    %eq3A_42 = arith.constant 6.300000e+01 : f32
    %eq3A_43 = vector.broadcast %eq3A_42 : f32 to vector<1x4096xf32>
    %eq3A_44 = arith.cmpf oeq, %broadcast_in_dim3A_35, %eq3A_43 : vector<1x4096xf32>
    %jit3A_45 = arith.constant 0.000000e+00 : f32
    %broadcast_in_dim3A_46 = vector.broadcast %jit3A_45 : f32 to vector<1x4096xf32>
    %select_n3A_47 = arith.select %eq3A_44, %broadcast_in_dim3A_46, %broadcast_in_dim3A_27 : vector<1x4096xi1>, vector<1x4096xf32>
    %add3A = arith.addf %select_n3A_41, %select_n3A_47 : vector<1x4096xf32>
    %div3A_48 = arith.divf %select_n3A_41, %add3A : vector<1x4096xf32>
    %div3A_49 = arith.divf %select_n3A_47, %add3A : vector<1x4096xf32>
    %concatenate3A = tpu.concatenate %broadcast_in_dim3A_19, %broadcast_in_dim3A_35, %div3A_48, %div3A_49 in 0 : vector<1x4096xf32>, vector<1x4096xf32>, vector<1x4096xf32>, vector<1x4096xf32> -> vector<4x4096xf32>
    %swap3A_50 = arith.constant 0 : index
    %swap3A_51 = arith.constant 0 : index
    %swap3A_52 = vector.load %arg4[%swap3A_50, %swap3A_51] : memref<4x4096xf32, #tpu.memory_space<vmem>>, vector<4x4096xf32>
    tpu.vector_store %arg4[%swap3A_50, %swap3A_51], %concatenate3A {strides = array<i32>} : memref<4x4096xf32, #tpu.memory_space<vmem>>, vector<4x4096xf32>,
    return
  }
  func.func @transform_0(%arg0: i32) -> (i32, i32) {
    %c0_i32 = arith.constant 0 : i32
    %c0_i32_0 = arith.constant 0 : i32
    return %arg0, %c0_i32 : i32, i32
  }
  func.func @transform_1(%arg0: i32) -> (i32, i32) {
    %c0_i32 = arith.constant 0 : i32
    %c0_i32_0 = arith.constant 0 : i32
    %c0_i32_1 = arith.constant 0 : i32
    return %c0_i32, %c0_i32_0 : i32, i32
  }
  func.func @transform_2(%arg0: i32) -> (i32, i32) {
    %c0_i32 = arith.constant 0 : i32
    %c0_i32_0 = arith.constant 0 : i32
    return %c0_i32, %arg0 : i32, i32
  }
  func.func @transform_3(%arg0: i32) -> (i32, i32) {
    %c0_i32 = arith.constant 0 : i32
    %c0_i32_0 = arith.constant 0 : i32
    return %c0_i32, %arg0 : i32, i32
  }
}

</mosaic_0001>

<sc_bundles>
// kernel: kernel.4.cloned.1.call-start
scs
__scs_entry_jumppad:
0x0: {  	(pc) =	sbr.rel $0x88, $3  }
0x1: {  	(tag) =	ssettag $0x0;
	lr =	simm.s32 $0x1  }
0x2: {  	[smem:$0x3F9F] =	sst lr;
	_ =	strace $0xD0000000  }
0x3: {  	_ = 	snop  }
0x4: {  	_ = 	snop  }
0x5: {  	_ = 	snop  }
0x6: {  	_ = 	snop  }
0x7: {  	_ = 	snop  }
__scs_overlays_trampoline_lowered:
0x8: {  	[smem:$0x3FAE] =	sst s0  }
0x9: {  	[smem:$0x3FAF] =	sst s1  }
0xa: {  	[smem:$0x3FB0] =	sst s2  }
0xb: {  	[smem:$0x3FB1] =	sst s3  }
0xc: {  	[smem:$0x3FB2] =	sst s4  }
0xd: {  	[smem:$0x3FB3] =	sst s5  }
0xe: {  	[smem:$0x3FB4] =	sst s6  }
0xf: {  	[smem:$0x3FB5] =	sst s7  }
0x10: {  	[smem:$0x3FB6] =	sst s8  }
0x11: {  	[smem:$0x3FB7] =	sst s9;
	s0 =	simm.s32 @!p0 $0x0  }
0x12: {  	s1 =	sld [smem:$0x3F9D];
	s0 =	simm.s32 @p0 $0x1  }
0x13: {  	[smem:$0x3FB8] =	sst s0;
	s0 =	simm.s32 @!p1 $0x0  }
0x14: {  	s2 =	sld [smem:$0x3F9C];
	s0 =	simm.s32 @p1 $0x1  }
0x15: {  	[smem:$0x3FB9] =	sst s0;
	s0 =	simm.s32 @!p2 $0x0  }
0x16: {  	s3 =	sld [smem:$0x3FDB];
	s0 =	simm.s32 @p2 $0x1  }
0x17: {  	s4 =	simm.s32 $0x1BF5;
	[smem:$0x3FBB] =	sst s0  }
0x18: {  	s0 =	sld [smem:$0x3F9E];
	_ =	swait.ge [sflag:s4], $0x0  }
0x19: {  	s7 =	sld [smem:$0x3F9F]  }
0x1a: {  	s8 =	sadd.s32 $0xFFFFE003, lr  }
0x1b: {  	s9 =	sadd.s32 $0xFFFFFEF7, lr;
	s5 =	simm.s32 $0xFFFFFFFF;
	p2 =	slt.u32 s8, $0xFFFFF086  }
0x1c: {  	p1 =	slt.u32 s9, $0xF7A;
	s5 =	simm.s32 @!p2 $0x0  }
0x1d: {  	s5 =	simm.s32 @p1 $0x1;
	p0 =	seq.s32 s7, s2  }
0x1e: {  	s7 =	smul.u32 @!p0 $0xF7A, s2;
	p2 =	seq.s32 @!p0 s5, $0x0  }
0x1f: {  	s9 =	smul.u32 $0xF7A, s1;
	s8 =	simm.s32 @!p0 $0x1BF5;
	p2 =	por !p2, p0  }
0x20: {  	[sflag:s8] =	ssyncset.s32 @!p0 $0xFFFFF086;
	s6 =	sadd.s32 @!p0 s3, s7;
	s7 =	simm.s32 @!p0 $0x108  }
0x21: {  	s3 =	sadd.s32 s3, s9;
	s6 =	sadd.s32 @!p0 $0x88, s6;
	s7 =	simm.s32 @p2 $0x1082  }
0x22: {  	[simem:s7], [sflag:s8] =	dma.local @!p0 [hbm:s6], $0xF7A  }
0x23: {  	s9 =	sor.u32 $0xD0000000, s2;
	s6 =	simm.s32 $0x108;
	_ =	swait.ge @!p0 [sflag:s8], $0x0  }
0x24: {  	s3 =	sadd.s32 $0x88, s3;
	s6 =	simm.s32 @!p1 $0x1082;
	[sflag:s4] =	ssyncset.s32 $0xFFFFF086  }
0x25: {  	[simem:s6], [sflag:s4] =	dma.local [hbm:s3], $0xF7A  }
0x26: {  	[smem:$0x3F9F] =	sst s1;
	(tag) =	ssettag s2;
	_ =	strace s9  }
0x27: {  	s1 =	sld [smem:$0x3FAF]  }
0x28: {  	s2 =	sld [smem:$0x3FB0]  }
0x29: {  	s4 =	sld [smem:$0x3FB2]  }
0x2a: {  	p0 =	seq.s32 s5, $0x0;
	s5 =	sld [smem:$0x3FB3]  }
0x2b: {  	s6 =	sld [smem:$0x3FB4]  }
0x2c: {  	s7 =	sld [smem:$0x3FB5]  }
0x2d: {  	s3 =	simm.s32 $0x108;
	s8 =	sld [smem:$0x3FB6]  }
0x2e: {  	s3 =	simm.s32 @!p0 $0x1082;
	s9 =	sld [smem:$0x3FB7]  }
0x2f: {  	lr =	sadd.s32 s0, s3;
	s0 =	sld [smem:$0x3FAE]  }
0x30: {  	s3 =	sld [smem:$0x3FB1]  }
0x31: {  	[smem:$0x3FBA] =	sst s10  }
0x32: {  	s10 =	sld [smem:$0x3FB8];
	_ =	sdelay $0x3  }
0x33: {  	p0 =	seq.s32 s10, $0x1;
	s10 =	sld [smem:$0x3FBA];
	_ =	sdelay $0x3  }
0x34: {  	[smem:$0x3FBA] =	sst s10  }
0x35: {  	s10 =	sld [smem:$0x3FB9];
	_ =	sdelay $0x3  }
0x36: {  	p1 =	seq.s32 s10, $0x1;
	s10 =	sld [smem:$0x3FBA];
	_ =	sdelay $0x3  }
0x37: {  	[smem:$0x3FBA] =	sst s10  }
0x38: {  	s10 =	sld [smem:$0x3FBB]  }
0x39: {  	_ = 	snop;
	(pc) =	sbr.ind lr, $3  }
0x3a: {  	_ = 	snop  }
0x3b: {  	_ = 	snop  }
0x3c: {  	p2 =	seq.s32 s10, $0x1;
	s10 =	sld [smem:$0x3FBA]  }
0x3d: {  	_ =	shalt  }
0x3e: {  	_ =	shalt  }
0x3f: {  	_ =	shalt  }
0x40: {  	_ =	shalt  }
0x41: {  	_ =	shalt  }
0x42: {  	_ =	shalt  }
0x43: {  	_ =	shalt  }
0x44: {  	_ =	shalt  }
0x45: {  	_ =	shalt  }
0x46: {  	_ =	shalt  }
0x47: {  	_ =	shalt  }
0x48: {  	_ =	shalt  }
0x49: {  	_ =	shalt  }
0x4a: {  	_ =	shalt  }
0x4b: {  	_ =	shalt  }
0x4c: {  	_ =	shalt  }
0x4d: {  	_ =	shalt  }
0x4e: {  	_ =	shalt  }
0x4f: {  	_ =	shalt  }
0x50: {  	_ =	shalt  }
0x51: {  	_ =	shalt  }
0x52: {  	_ =	shalt  }
0x53: {  	_ =	shalt  }
0x54: {  	_ =	shalt  }
0x55: {  	_ =	shalt  }
0x56: {  	_ =	shalt  }
0x57: {  	_ =	shalt  }
0x58: {  	_ =	shalt  }
0x59: {  	_ =	shalt  }
0x5a: {  	_ =	shalt  }
0x5b: {  	_ =	shalt  }
0x5c: {  	_ =	shalt  }
0x5d: {  	_ =	shalt  }
0x5e: {  	_ =	shalt  }
0x5f: {  	_ =	shalt  }
0x60: {  	_ =	shalt  }
0x61: {  	_ =	shalt  }
0x62: {  	_ =	shalt  }
0x63: {  	_ =	shalt  }
0x64: {  	_ =	shalt  }
0x65: {  	_ =	shalt  }
0x66: {  	_ =	shalt  }
0x67: {  	_ =	shalt  }
0x68: {  	_ =	shalt  }
0x69: {  	_ =	shalt  }
0x6a: {  	_ =	shalt  }
0x6b: {  	_ =	shalt  }
0x6c: {  	_ =	shalt  }
0x6d: {  	_ =	shalt  }
0x6e: {  	_ =	shalt  }
0x6f: {  	_ =	shalt  }
0x70: {  	_ =	shalt  }
0x71: {  	_ =	shalt  }
0x72: {  	_ =	shalt  }
0x73: {  	_ =	shalt  }
0x74: {  	_ =	shalt  }
0x75: {  	_ =	shalt  }
0x76: {  	_ =	shalt  }
0x77: {  	_ =	shalt  }
0x78: {  	_ =	shalt  }
0x79: {  	_ =	shalt  }
0x7a: {  	_ =	shalt  }
0x7b: {  	_ =	shalt  }
0x7c: {  	_ =	shalt  }
0x7d: {  	_ =	shalt  }
0x7e: {  	_ =	shalt  }
0x7f: {  	_ =	shalt  }
0x80: {  	_ =	shalt  }
0x81: {  	_ =	shalt  }
0x82: {  	_ =	shalt  }
0x83: {  	_ =	shalt  }
0x84: {  	_ =	shalt  }
0x85: {  	_ =	shalt  }
0x86: {  	_ =	shalt  }
0x87: {  	_ =	shalt  }
.Lfunc_end0:
.L_simem_size_0:
called_computation_lowered:
.L_overlay_start_0:
0x88: {  	s2 =	sld [smem:$0x3FD9]  }
0x89: {  	s3 =	sld [smem:$0x3FFE];
	_ =	sdelay $0x1  }
0x8a: {  	s1 =	srdreg.scid  }
0x8b: {  	s0 =	sand.u32 $0x1, s1  }
0x8c: {  	s14 =	sshll.u32 s0, $0xA;
	s2 =	sadd.s32 s3, s2  }
0x8d: {  	s2 =	sadd.s32 s2, s14  }
0x8e: {  	[smem:$0x3FC6] =	sst s2  }
0x8f: {  	_ = 	snop  }
0x90: {  	s2 =	sld [smem:$0x3FD0];
	_ =	sdelay $0x2  }
0x91: {  	s15 =	simm.s32 $0xA;
	s4 =	simm.s32 $0x10  }
0x92: {  	[smem:s4], [sflag:s15] =	dma.local [hbm:s2], $0x1  }
0x93: {  	_ =	swait.eq [sflag:s15], $0x1  }
0x94: {  	[sflag:s15] =	ssyncset.done $0x0  }
0x95: {  	[sflag:s15] =	ssyncadd.s32 $0xFFFFFFFF  }
0x96: {  	s16 =	sld [smem:$0x12];
	(tm) =	ssettm $0x1  }
0x97: {  	s17 =	sld [smem:$0x3FFB];
	_ =	sdelay $0x3  }
0x98: {  	_ =	strace s17  }
0x99: {  	s3 =	sld [smem:$0x3FFC];
	_ =	sdelay $0x3  }
0x9a: {  	_ =	strace s3  }
0x9b: {  	s3 =	sld [smem:$0x3FFD];
	_ =	sdelay $0x3  }
0x9c: {  	_ =	strace s3  }
0x9d: {  	_ =	strace $0x8FFFFFFF  }
0x9e: {  	s18 =	sld [smem:$0x3FDB];
	_ =	sdelay $0x1  }
0x9f: {  	s19 =	simm.s32 $_scs_section_size  }
0xa0: {  	s5 =	simm.s32 $_size__tile_overlayer_lowered;
	s6 =	simm.s32 $_tile_overlayer_lowered  }
0xa1: {  	s22 =	simm.s32 $0x1BFF;
	s21 =	sshll.u32 s6, $0x1;
	s3 =	sadd.s32 s19, s18  }
0xa2: {  	s7 =	simm.s32 $0x0;
	s20 =	sshll.u32 s5, $0x1;
	s5 =	sadd.s32 s21, s3  }
0xa3: {  	[timem:s7], [sflag:s22] =	dma.local [hbm:s5], s20  }
0xa4: {  	_ =	swait.ge [sflag:s22], s20  }
0xa5: {  	s4 =	ssub.s32 $0x0, s20;
	[sflag:s22] =	ssyncset.done $0x0  }
0xa6: {  	[sflag:s22] =	ssyncadd.s32 s4;
	_ =	sdelay $0x1  }
0xa7: {  	s23 =	simm.s32 $0x1B8B  }
0xa8: {  	_ =	swait.ge [sflag:s23], $0x1  }
0xa9: {  	[sflag:s23] =	ssyncset.done $0x0  }
0xaa: {  	s25 =	simm.s32 $0x1B8E;
	s24 =	sld [smem:$0x3FFE];
	[sflag:s23] =	ssyncadd.s32 $0xFFFFFFFF  }
0xab: {  	s26 =	simm.s32 $execute0_lowered;
	[smem:$0x3FD2] =	sst s25  }
0xac: {  	s5 =	sshll.u32 s26, $0x1;
	_ =	strace $0x80000046;
	[dreg:$0x1] =	wrdreg $0xFFFFFFFF  }
0xad: {  	s28 =	simm.s32 $_size_execute0_lowered;
	s3 =	sadd.s32 s3, s5;
	[dreg:$0x0] =	wrdreg $0x0  }
0xae: {  	s5 =	sshll.u32 s28, $0x1;
	[dreg:$0x2] =	wrdreg s3  }
0xaf: {  	[dreg:$0x3] =	wrdreg s5  }
0xb0: {  	[dreg:$0x4] =	wrdreg $0xC0  }
0xb1: {  	_ =	task [dreg:s7], $0x5FFFF  }
0xb2: {  	[dreg:$0x1] =	wrdreg $0xFFFFFFFF  }
0xb3: {  	[dreg:$0x0] =	wrdreg $0x60  }
0xb4: {  	[dreg:$0x2] =	wrdreg s24  }
0xb5: {  	[dreg:$0x3] =	wrdreg s16  }
0xb6: {  	[dreg:$0x4] =	wrdreg $0x9  }
0xb7: {  	_ =	task.clear_ibuf [dreg:s7], $0x5FFFF;
	_ =	strace $0x90000046  }
0xb8: {  	s29 =	simm.s32 $0x9;
	_ =	strace $0x80000048  }
0xb9: {  	_ =	swait.ge [sflag:s29], $0x1  }
0xba: {  	[sflag:s29] =	ssyncadd.s32 $0xFFFFFFFF  }
0xbb: {  	_ =	strace $0x90000048  }
0xbc: {  	_ =	sfence  }
0xbd: {  	s30 =	sld [smem:$0x0];
	_ =	sdelay $0x2  }
0xbe: {  	s31 =	sshll.u32 s1, $0xD;
	s1 =	sshrl.u32 s1, $0x2  }
0xbf: {  	s3 =	sand.u32 $0x4000, s31;
	s1 =	sadd.s32 s1, s30  }
0xc0: {  	s0 =	sor.u32 s3, s0;
	s1 =	sshll.u32 s1, $0x11  }
0xc1: {  	s0 =	sor.u32 s1, s0  }
0xc2: {  	s0 =	sadd.s32 $0x8F2B, s0  }
0xc3: {  	[sflag:s0] =	ssyncadd.remote.s32 $0x1  }
0xc4: {  	_ =	sfence.sel $0xFFFF  }
0xc5: {  	[dreg:$0x0] =	wrdreg $0xFFFFFFFF;
	(pc) =	sbr.abs _section_cstart, $3  }
0xc6: {  	[dreg:$0x1] =	wrdreg $0xFFFFFFFF  }
0xc7: {  	_ =	task.clear_ibuf [dreg:s7], $0x2FFFF;
	_ =	strace $0x9FFFFFFF  }
0xc8: {  	(tm) =	ssettm $0x7FFFFFFF  }
0xc9: {  	_ =	shalt  }
tec
execute0_lowered:
.L_overlay_start_1:
0x0: {  	(tag) =	ssettag $0x1  }
0x1: {  	s1 =	srdreg.scid  }
0x2: {  	s3 =	rddreg [dreg:$0x0];
	s0 =	stileid.u32  }
0x3: {  	s7 =	rddreg [dreg:$0x1];
	s10 =	simm.s32 $0x200;
	s11 =	simm.s32 $0x400  }
0x4: {  	s12 =	simm.s32 $0x800;
	s13 =	simm.s32 $0xC00;
	s14 =	simm.s32 $0x1  }
0x5: {  	s15 =	simm.s32 $0x1000;
	s16 =	simm.s32 $0x2000;
	s17 =	simm.s32 $0x40000  }
0x6: {  	s18 =	simm.s32 $0x0;
	s4 =	sand.u32 $0x1, s1;
	s2 =	sshll.u32 s0, $0xB  }
0x7: {  	s1 =	rddreg [dreg:$0x2];
	s5 =	sshll.u32 s4, $0xA;
	s4 =	ssub.s32 $0x2, s4  }
0x8: {  	s8 =	sor.u32 s5, s2;
	s2 =	simm.s32 $0x0;
	s31 =	sshrl.u32 s4, $0x1  }
0x9: {  	v0 =	vlaneseq.u32;
	s5 =	sshrl.u32 s8, $0x1;
	[smem:$0x7FF] =	sst s2;
	s9 =	ssub.s32 s4, s31  }
0xa: {  	v1 =	vimm.f32 $0.0e+00;
	v2 =	vor.u32 $0x10, v0;
	s7 =	sadd.s32 s7, s8;
	s6 =	sadd.s32 s5, s3;
	_ =	strace $0x80000047  }
0xb: {  	v3 =	vor.u32 $0x20, v0;
	v4 =	vor.u32 $0x30, v0;
	v5 =	vor.u32 $0x40, v0;
	s8 =	smax.u32 s9, $0x1;
	s9 =	simm.s32 $0x80;
	s3 =	sadd.s32 $0xE00, s6  }
0xc: {  	v6 =	vor.u32 $0x50, v0;
	v7 =	vor.u32 $0x60, v0;
	v8 =	vor.u32 $0x70, v0;
	s4 =	sadd.s32 $0xE10, s6;
	s5 =	sadd.s32 $0xE20, s6;
	s6 =	sadd.s32 $0xE30, s6  }
.LBB2_1:
0xd: {  	[tilespmem:s2], [sflag:$0x1] =	stream.strided.gather [hbm4b:s3+s9], $0x400, s10, s9, $0x38;
	[tilespmem:$0x11000] =	vst v63  }
0xe: {  	_ = 	snop  }
0xf: {  	[tilespmem:s11], [sflag:$0x1] =	stream.strided.gather [hbm4b:s4+s9], $0x400, s10, s9, $0x38;
	[tilespmem:$0x11000] =	vst v63  }
0x10: {  	s19 =	simm.s32 $0xFFFF0000  }
0x11: {  	[tilespmem:s12], [sflag:$0x1] =	stream.strided.gather [hbm4b:s5+s9], $0x400, s10, s9, $0x38;
	[tilespmem:$0x11000] =	vst v63  }
0x12: {  	s20 =	simm.s32 $0x0;
	s21 =	simm.s32 $0x0;
	s22 =	simm.s32 $0x0  }
0x13: {  	[tilespmem:s13], [sflag:$0x1] =	stream.strided.gather [hbm4b:s6+s9], $0x400, s10, s9, $0x38;
	[tilespmem:$0x11000] =	vst v63  }
.LBB2_2:
0x14: {  	s23 =	sadd.s32 $0x10000, s19  }
0x15: {  	s24 =	sand.u32 $0x380, s22;
	s23 =	sand.u32 $0xE000, s23  }
0x16: {  	s23 =	sor.u32 s24, s23  }
0x17: {  	[tilespmem:s23+$0x1000] =	vst v1  }
0x18: {  	[tilespmem:s23+$0x1010] =	vst v1  }
0x19: {  	[tilespmem:s23+$0x1020] =	vst v1  }
0x1a: {  	[tilespmem:s23+$0x1030] =	vst v1  }
0x1b: {  	[tilespmem:s23+$0x1040] =	vst v1  }
0x1c: {  	[tilespmem:s23+$0x1050] =	vst v1  }
0x1d: {  	[tilespmem:s23+$0x1060] =	vst v1  }
0x1e: {  	[tilespmem:s23+$0x1070] =	vst v1  }
0x1f: {  	[tilespmem:s23+$0x1400] =	vst v1  }
0x20: {  	[tilespmem:s23+$0x1410] =	vst v1  }
0x21: {  	[tilespmem:s23+$0x1420] =	vst v1  }
0x22: {  	[tilespmem:s23+$0x1430] =	vst v1  }
0x23: {  	[tilespmem:s23+$0x1440] =	vst v1  }
0x24: {  	[tilespmem:s23+$0x1450] =	vst v1  }
0x25: {  	[tilespmem:s23+$0x1460] =	vst v1  }
0x26: {  	[tilespmem:s23+$0x1470] =	vst v1  }
0x27: {  	[tilespmem:s23+$0x1800] =	vst v1  }
0x28: {  	[tilespmem:s23+$0x1810] =	vst v1  }
0x29: {  	[tilespmem:s23+$0x1820] =	vst v1  }
0x2a: {  	[tilespmem:s23+$0x1830] =	vst v1  }
0x2b: {  	[tilespmem:s23+$0x1840] =	vst v1  }
0x2c: {  	[tilespmem:s23+$0x1850] =	vst v1  }
0x2d: {  	[tilespmem:s23+$0x1860] =	vst v1  }
0x2e: {  	[tilespmem:s23+$0x1870] =	vst v1  }
0x2f: {  	[tilespmem:s23+$0x1C00] =	vst v1  }
0x30: {  	[tilespmem:s23+$0x1C10] =	vst v1  }
0x31: {  	[tilespmem:s23+$0x1C20] =	vst v1  }
0x32: {  	[tilespmem:s23+$0x1C30] =	vst v1  }
0x33: {  	[tilespmem:s23+$0x1C40] =	vst v1  }
0x34: {  	[tilespmem:s23+$0x1C50] =	vst v1  }
0x35: {  	[tilespmem:s23+$0x1C60] =	vst v1  }
0x36: {  	[tilespmem:s23+$0x1C70] =	vst v1  }
0x37: {  	[tilespmem:s23+$0x2000] =	vst v1  }
0x38: {  	[tilespmem:s23+$0x2010] =	vst v1  }
0x39: {  	[tilespmem:s23+$0x2020] =	vst v1  }
0x3a: {  	[tilespmem:s23+$0x2030] =	vst v1  }
0x3b: {  	[tilespmem:s23+$0x2040] =	vst v1  }
0x3c: {  	[tilespmem:s23+$0x2050] =	vst v1  }
0x3d: {  	[tilespmem:s23+$0x2060] =	vst v1  }
0x3e: {  	[tilespmem:s23+$0x2070] =	vst v1  }
0x3f: {  	[tilespmem:s23+$0x2400] =	vst v1  }
0x40: {  	[tilespmem:s23+$0x2410] =	vst v1  }
0x41: {  	[tilespmem:s23+$0x2420] =	vst v1  }
0x42: {  	[tilespmem:s23+$0x2430] =	vst v1  }
0x43: {  	[tilespmem:s23+$0x2440] =	vst v1  }
0x44: {  	[tilespmem:s23+$0x2450] =	vst v1  }
0x45: {  	[tilespmem:s23+$0x2460] =	vst v1  }
0x46: {  	[tilespmem:s23+$0x2470] =	vst v1  }
0x47: {  	[tilespmem:s23+$0x2800] =	vst v1  }
0x48: {  	[tilespmem:s23+$0x2810] =	vst v1  }
0x49: {  	[tilespmem:s23+$0x2820] =	vst v1  }
0x4a: {  	[tilespmem:s23+$0x2830] =	vst v1  }
0x4b: {  	s29 =	sand.u32 $0x7, s20;
	[tilespmem:s23+$0x2840] =	vst v1  }
0x4c: {  	s24 =	sshll.u32 s29, $0x7;
	[tilespmem:s23+$0x2850] =	vst v1  }
0x4d: {  	s24 =	sadd.s32 s24, s21;
	[tilespmem:s23+$0x2860] =	vst v1  }
0x4e: {  	[tilespmem:s23+$0x2870] =	vst v1;
	s30 =	sor.u32 $0x1C00, s24  }
0x4f: {  	s31 =	sor.u32 $0x1C10, s24;
	[tilespmem:s30+$0x1000] =	vst v1  }
0x50: {  	s25 =	sor.u32 $0x1C20, s24;
	[tilespmem:s31+$0x1000] =	vst v1  }
0x51: {  	p0 =	sne.s32 s22, $0x1F80;
	s26 =	sor.u32 $0x1C30, s24;
	[tilespmem:s25+$0x1000] =	vst v1  }
.Ltmp0:
0x52: {  	s28 =	sor.u32 $0x1C40, s24;
	[tilespmem:s26+$0x1000] =	vst v1;
	(pc) =	sbr.rel @p0 .LBB2_2-.Ltmp0, $4  }
0x53: {  	s29 =	sor.u32 $0x1C50, s24;
	[tilespmem:s28+$0x1000] =	vst v1  }
0x54: {  	s30 =	sor.u32 $0x1C60, s24;
	[tilespmem:s29+$0x1000] =	vst v1  }
0x55: {  	s20 =	sadd.s32 $0x1, s20;
	s31 =	sor.u32 $0x1C70, s24;
	[tilespmem:s30+$0x1000] =	vst v1  }
0x56: {  	s19 =	sadd.s32 $0x400, s19;
	s22 =	sadd.s32 $0x80, s22;
	s21 =	sadd.s32 $0x400, s21;
	[tilespmem:s31+$0x1000] =	vst v1  }
0x57: {  	_ =	swait.ge [sflag:s14], $0x400  }
0x58: {  	[sflag:s14] =	ssyncset.done $0x0  }
0x59: {  	[sflag:s14] =	ssyncadd.s32 $0xFFFFFC00  }
0x5a: {  	_ =	swait.ge [sflag:s14], $0x400  }
0x5b: {  	[sflag:s14] =	ssyncset.done $0x0  }
0x5c: {  	[sflag:s14] =	ssyncadd.s32 $0xFFFFFC00  }
0x5d: {  	_ =	swait.ge [sflag:s14], $0x400  }
0x5e: {  	[sflag:s14] =	ssyncset.done $0x0  }
0x5f: {  	[sflag:s14] =	ssyncadd.s32 $0xFFFFFC00  }
0x60: {  	_ =	swait.ge [sflag:s14], $0x400  }
0x61: {  	[sflag:s14] =	ssyncset.done $0x0  }
0x62: {  	s19 =	simm.s32 $0x0;
	s20 =	simm.s32 $0x800;
	[sflag:s14] =	ssyncadd.s32 $0xFFFFFC00  }
.LBB2_4:
0x63: {  	v9 =	vld [tilespmem:s20+$0xFFFFF800]  }
0x64: {  	v10 =	vld [tilespmem:s20+$0xFFFFFC00];
	_ =	sdelay $0x3  }
0x65: {  	v11 =	vmov s19;
	v9 =	vtrunc.f32 v9  }
0x66: {  	v12 =	vcvt.f32.s32 v9;
	v9 =	vtrunc.f32 v10;
	v10 =	vshrl.u32 v11, $0x7  }
0x67: {  	v11 =	vcvt.f32.s32 v9;
	v9 =	vshll.u32 v10, $0xA  }
0x68: {  	v10 =	vshll.u32 v12, $0xA;
	v9 =	vbroadcast v9, $0x0;
	v12 =	vshll.u32 v12, $0x7  }
0x69: {  	v10 =	vand.u32 $0xFFFFE000, v10;
	v12 =	vand.u32 $0x380, v12  }
0x6a: {  	v14 =	vshll.u32 v11, $0xA;
	v11 =	vshll.u32 v11, $0x7;
	v13 =	vor.u32 v0, v9  }
0x6b: {  	v10 =	vor.u32 v10, v12;
	v28 =	vand.u32 $0xFFFFE000, v14;
	v11 =	vand.u32 $0x380, v11  }
0x6c: {  	v29 =	vld [tilespmem:s20+$0x0];
	v10 =	vor.u32 v13, v10;
	v11 =	vor.u32 v28, v11  }
0x6d: {  	v30 =	vld [tilespmem:s20+$0x400];
	v11 =	vor.u32 v13, v11;
	_ =	sdelay $0x3  }
0x6e: {  	[tilespmem:v10+s15+$0x0] =	vst.idx.msk $0xffff, v29  }
0x6f: {  	[tilespmem:v11+s15+$0x0] =	vst.idx.msk $0xffff, v30  }
0x70: {  	v10 =	vld [tilespmem:s20+$0xFFFFF810]  }
0x71: {  	v11 =	vld [tilespmem:s20+$0xFFFFFC10];
	_ =	sdelay $0x3  }
0x72: {  	v10 =	vtrunc.f32 v10  }
0x73: {  	v11 =	vtrunc.f32 v11;
	v10 =	vcvt.f32.s32 v10  }
0x74: {  	v11 =	vcvt.f32.s32 v11  }
0x75: {  	v31 =	vshll.u32 v10, $0xA;
	v10 =	vshll.u32 v10, $0x7  }
0x76: {  	v32 =	vshll.u32 v11, $0xA;
	v11 =	vshll.u32 v11, $0x7;
	v12 =	vand.u32 $0xFFFFE000, v31  }
0x77: {  	v10 =	vand.u32 $0x380, v10;
	v13 =	vand.u32 $0xFFFFE000, v32;
	v12 =	vadd.s32 v9, v12  }
0x78: {  	v11 =	vand.u32 $0x380, v11;
	v33 =	vadd.s32 v9, v13;
	v10 =	vor.u32 v10, v12  }
0x79: {  	v34 =	vld [tilespmem:s20+$0x10];
	v11 =	vor.u32 v11, v33;
	v10 =	vor.u32 v2, v10  }
0x7a: {  	v35 =	vld [tilespmem:s20+$0x410];
	v11 =	vor.u32 v2, v11;
	_ =	sdelay $0x3  }
0x7b: {  	[tilespmem:v10+s15+$0x0] =	vst.idx.msk $0xffff, v34  }
0x7c: {  	[tilespmem:v11+s15+$0x0] =	vst.idx.msk $0xffff, v35  }
0x7d: {  	v10 =	vld [tilespmem:s20+$0xFFFFF820]  }
0x7e: {  	v11 =	vld [tilespmem:s20+$0xFFFFFC20];
	_ =	sdelay $0x3  }
0x7f: {  	v10 =	vtrunc.f32 v10  }
0x80: {  	v11 =	vtrunc.f32 v11;
	v10 =	vcvt.f32.s32 v10  }
0x81: {  	v11 =	vcvt.f32.s32 v11  }
0x82: {  	v36 =	vshll.u32 v10, $0xA;
	v10 =	vshll.u32 v10, $0x7  }
0x83: {  	v37 =	vshll.u32 v11, $0xA;
	v11 =	vshll.u32 v11, $0x7;
	v12 =	vand.u32 $0xFFFFE000, v36  }
0x84: {  	v10 =	vand.u32 $0x380, v10;
	v13 =	vand.u32 $0xFFFFE000, v37;
	v12 =	vadd.s32 v9, v12  }
0x85: {  	v11 =	vand.u32 $0x380, v11;
	v38 =	vadd.s32 v9, v13;
	v10 =	vor.u32 v10, v12  }
0x86: {  	v39 =	vld [tilespmem:s20+$0x20];
	v11 =	vor.u32 v11, v38;
	v10 =	vor.u32 v3, v10  }
0x87: {  	v40 =	vld [tilespmem:s20+$0x420];
	v11 =	vor.u32 v3, v11;
	_ =	sdelay $0x3  }
0x88: {  	[tilespmem:v10+s15+$0x0] =	vst.idx.msk $0xffff, v39  }
0x89: {  	[tilespmem:v11+s15+$0x0] =	vst.idx.msk $0xffff, v40  }
0x8a: {  	v10 =	vld [tilespmem:s20+$0xFFFFF830]  }
0x8b: {  	v11 =	vld [tilespmem:s20+$0xFFFFFC30];
	_ =	sdelay $0x3  }
0x8c: {  	v10 =	vtrunc.f32 v10  }
0x8d: {  	v11 =	vtrunc.f32 v11;
	v10 =	vcvt.f32.s32 v10  }
0x8e: {  	v11 =	vcvt.f32.s32 v11  }
0x8f: {  	v41 =	vshll.u32 v10, $0xA;
	v10 =	vshll.u32 v10, $0x7  }
0x90: {  	v42 =	vshll.u32 v11, $0xA;
	v11 =	vshll.u32 v11, $0x7;
	v12 =	vand.u32 $0xFFFFE000, v41  }
0x91: {  	v10 =	vand.u32 $0x380, v10;
	v13 =	vand.u32 $0xFFFFE000, v42;
	v12 =	vadd.s32 v9, v12  }
0x92: {  	v11 =	vand.u32 $0x380, v11;
	v43 =	vadd.s32 v9, v13;
	v10 =	vor.u32 v10, v12  }
0x93: {  	v44 =	vld [tilespmem:s20+$0x30];
	v11 =	vor.u32 v11, v43;
	v10 =	vor.u32 v4, v10  }
0x94: {  	v45 =	vld [tilespmem:s20+$0x430];
	v11 =	vor.u32 v4, v11;
	_ =	sdelay $0x3  }
0x95: {  	[tilespmem:v10+s15+$0x0] =	vst.idx.msk $0xffff, v44  }
0x96: {  	[tilespmem:v11+s15+$0x0] =	vst.idx.msk $0xffff, v45  }
0x97: {  	v10 =	vld [tilespmem:s20+$0xFFFFF840]  }
0x98: {  	v11 =	vld [tilespmem:s20+$0xFFFFFC40];
	_ =	sdelay $0x3  }
0x99: {  	v10 =	vtrunc.f32 v10  }
0x9a: {  	v11 =	vtrunc.f32 v11;
	v10 =	vcvt.f32.s32 v10  }
0x9b: {  	v11 =	vcvt.f32.s32 v11  }
0x9c: {  	v46 =	vshll.u32 v10, $0xA;
	v10 =	vshll.u32 v10, $0x7  }
0x9d: {  	v47 =	vshll.u32 v11, $0xA;
	v11 =	vshll.u32 v11, $0x7;
	v12 =	vand.u32 $0xFFFFE000, v46  }
0x9e: {  	v10 =	vand.u32 $0x380, v10;
	v13 =	vand.u32 $0xFFFFE000, v47;
	v12 =	vadd.s32 v9, v12  }
0x9f: {  	v11 =	vand.u32 $0x380, v11;
	v48 =	vadd.s32 v9, v13;
	v10 =	vor.u32 v10, v12  }
0xa0: {  	v49 =	vld [tilespmem:s20+$0x40];
	v11 =	vor.u32 v11, v48;
	v10 =	vor.u32 v5, v10  }
0xa1: {  	v50 =	vld [tilespmem:s20+$0x440];
	v11 =	vor.u32 v5, v11;
	_ =	sdelay $0x3  }
0xa2: {  	[tilespmem:v10+s15+$0x0] =	vst.idx.msk $0xffff, v49  }
0xa3: {  	[tilespmem:v11+s15+$0x0] =	vst.idx.msk $0xffff, v50  }
0xa4: {  	v10 =	vld [tilespmem:s20+$0xFFFFF850]  }
0xa5: {  	v11 =	vld [tilespmem:s20+$0xFFFFFC50];
	_ =	sdelay $0x3  }
0xa6: {  	v10 =	vtrunc.f32 v10  }
0xa7: {  	v11 =	vtrunc.f32 v11;
	v10 =	vcvt.f32.s32 v10  }
0xa8: {  	v11 =	vcvt.f32.s32 v11  }
0xa9: {  	v51 =	vshll.u32 v10, $0xA;
	v10 =	vshll.u32 v10, $0x7  }
0xaa: {  	v52 =	vshll.u32 v11, $0xA;
	v11 =	vshll.u32 v11, $0x7;
	v12 =	vand.u32 $0xFFFFE000, v51  }
0xab: {  	v10 =	vand.u32 $0x380, v10;
	v13 =	vand.u32 $0xFFFFE000, v52;
	v12 =	vadd.s32 v9, v12  }
0xac: {  	v11 =	vand.u32 $0x380, v11;
	v53 =	vadd.s32 v9, v13;
	v10 =	vor.u32 v10, v12  }
0xad: {  	v54 =	vld [tilespmem:s20+$0x50];
	v11 =	vor.u32 v11, v53;
	v10 =	vor.u32 v6, v10  }
0xae: {  	v55 =	vld [tilespmem:s20+$0x450];
	v11 =	vor.u32 v6, v11;
	_ =	sdelay $0x3  }
0xaf: {  	[tilespmem:v10+s15+$0x0] =	vst.idx.msk $0xffff, v54  }
0xb0: {  	[tilespmem:v11+s15+$0x0] =	vst.idx.msk $0xffff, v55  }
0xb1: {  	v10 =	vld [tilespmem:s20+$0xFFFFF860]  }
0xb2: {  	v11 =	vld [tilespmem:s20+$0xFFFFFC60];
	_ =	sdelay $0x3  }
0xb3: {  	v10 =	vtrunc.f32 v10  }
0xb4: {  	v11 =	vtrunc.f32 v11;
	v10 =	vcvt.f32.s32 v10  }
0xb5: {  	v11 =	vcvt.f32.s32 v11  }
0xb6: {  	v56 =	vshll.u32 v10, $0xA;
	v10 =	vshll.u32 v10, $0x7  }
0xb7: {  	v57 =	vshll.u32 v11, $0xA;
	v11 =	vshll.u32 v11, $0x7;
	v12 =	vand.u32 $0xFFFFE000, v56  }
0xb8: {  	v10 =	vand.u32 $0x380, v10;
	v13 =	vand.u32 $0xFFFFE000, v57;
	v12 =	vadd.s32 v9, v12  }
0xb9: {  	v11 =	vand.u32 $0x380, v11;
	v58 =	vadd.s32 v9, v13;
	v10 =	vor.u32 v10, v12  }
0xba: {  	v59 =	vld [tilespmem:s20+$0x60];
	v11 =	vor.u32 v11, v58;
	v10 =	vor.u32 v7, v10  }
0xbb: {  	v60 =	vld [tilespmem:s20+$0x460];
	v11 =	vor.u32 v7, v11;
	_ =	sdelay $0x3  }
0xbc: {  	[tilespmem:v10+s15+$0x0] =	vst.idx.msk $0xffff, v59  }
0xbd: {  	[tilespmem:v11+s15+$0x0] =	vst.idx.msk $0xffff, v60  }
0xbe: {  	v10 =	vld [tilespmem:s20+$0xFFFFF870]  }
0xbf: {  	v11 =	vld [tilespmem:s20+$0xFFFFFC70];
	_ =	sdelay $0x3  }
0xc0: {  	v10 =	vtrunc.f32 v10  }
0xc1: {  	v11 =	vtrunc.f32 v11;
	v10 =	vcvt.f32.s32 v10  }
0xc2: {  	v11 =	vcvt.f32.s32 v11  }
0xc3: {  	v61 =	vshll.u32 v10, $0xA;
	v10 =	vshll.u32 v10, $0x7  }
0xc4: {  	v62 =	vshll.u32 v11, $0xA;
	v11 =	vshll.u32 v11, $0x7;
	v12 =	vand.u32 $0xFFFFE000, v61  }
0xc5: {  	v10 =	vand.u32 $0x380, v10;
	v13 =	vand.u32 $0xFFFFE000, v62;
	v12 =	vadd.s32 v9, v12  }
0xc6: {  	v11 =	vand.u32 $0x380, v11;
	v9 =	vadd.s32 v9, v13;
	v10 =	vor.u32 v10, v12  }
0xc7: {  	v63 =	vld [tilespmem:s20+$0x70];
	v9 =	vor.u32 v11, v9;
	v10 =	vor.u32 v8, v10  }
0xc8: {  	p0 =	sne.s32 s19, $0x380;
	v11 =	vld [tilespmem:s20+$0x470];
	v9 =	vor.u32 v8, v9  }
.Ltmp1:
0xc9: {  	_ = 	snop;
	(pc) =	sbr.rel @p0 .LBB2_4-.Ltmp1, $3  }
0xca: {  	_ =	sdelay $0x1  }
0xcb: {  	[tilespmem:v10+s15+$0x0] =	vst.idx.msk $0xffff, v63  }
0xcc: {  	s19 =	sadd.s32 $0x80, s19;
	s20 =	sadd.s32 $0x80, s20;
	[tilespmem:v9+s15+$0x0] =	vst.idx.msk $0xffff, v11  }
0xcd: {  	s18 =	sadd.s32 $0x1, s18  }
0xce: {  	p0 =	sne.s32 s18, s8  }
.Ltmp2:
0xcf: {  	_ = 	snop;
	(pc) =	sbr.rel @p0 .LBB2_1-.Ltmp2, $4  }
0xd0: {  	[hbm4b:s7+s16] =	stream.strided.scatter [tilespmem:s15], [sflag:$0x1], $0x10000, s17, s16, $0x38;
	[tilespmem:$0x11000] =	vst v63  }
0xd1: {  	_ =	swait.ge [sflag:s14], $0x10000  }
0xd2: {  	[sflag:s14] =	ssyncset.done $0x0  }
0xd3: {  	[sflag:s14] =	ssyncadd.s32 $0xFFFF0000  }
0xd4: {  	_ =	sfence.sel $0x180000  }
0xd5: {  	[bflag:$0x0] =	sbarrier.arrive $0xFFFF  }
0xd6: {  	p0 =	sne.s32 s0, $0x0;
	_ =	strace $0x90000047  }
0xd7: {  	s0 =	sadd.s32 @!p0 $0x100000, s1;
	[bflag:$0x2] =	sbarrier.arrive $0xFFFF  }
0xd8: {  	[sflag:s0] =	ssyncadd.tile.s32 @!p0 $0x1;
	_ =	shalt  }
.Lfunc_end2:
_tile_overlayer_lowered:
.L_overlay_start_2:
0xd9: {  	(tag) =	ssettag $0x2  }
0xda: {  	s0 =	rddreg [dreg:$0x0];
	s2 =	stileid.u32  }
0xdb: {  	s1 =	rddreg [dreg:$0x1];
	p0 =	sne.s32 s2, $0x0  }
0xdc: {  	s3 =	rddreg [dreg:$0x2];
	[bflag:$0x3] =	sbarrier.arrive $0xFFFF;
	s2 =	simm.s32 @!p0 $0x1C02  }
0xdd: {  	[timem:s3], [sflag:s2] =	dma.local @!p0 [hbm:s0], s1  }
0xde: {  	s0 =	simm.s32 @!p0 $0x2  }
0xdf: {  	_ =	swait.ge @!p0 [sflag:s0], s1  }
0xe0: {  	s1 =	ssub.s32 @!p0 $0x0, s1;
	[sflag:s0] =	ssyncset.done @!p0 $0x0  }
0xe1: {  	[sflag:s0] =	ssyncadd.s32 @!p0 s1  }
0xe2: {  	[bflag:$0x3] =	sbarrier.arrive $0xFFFF  }
0xe3: {  	_ =	shalt  }

</sc_bundles>
